<compile_context>
chip_gen: v7x
topology: tpu7x:2x2x1
jax: 0.10.2.dev20260603
libtpu: 0.0.44.dev20260713+nightly
codegen_flags: <defaults>
</compile_context>

<pallas_src>
import functools
import math

import jax
import jax.numpy as jnp
from jax import lax
from jax.experimental import pallas as pl
from jax.experimental.pallas import tpu as pltpu
from jax.experimental.pallas import tpu_sc as plsc

N = 10000
E = 320000
D = 128
HID = 128
OUT = 8
HEADS = 4
S1 = 75
B = 64
C = S1 * HEADS
HD = HID // HEADS

NPAD = 10240
RB = 1024
NBLK = NPAD // RB
BP = B + 8
SPT = 80
CSPT = 40
EPT2 = SPT * 128
EPAD = 32 * EPT2
EPT1 = E // 32
ROWS_PER_TILE = NPAD // 16

_SCALE = 1.0 / math.sqrt(HID)


def _ln(x, g, b):
    mu = jnp.mean(x, axis=-1, keepdims=True)
    var = jnp.mean((x - mu) ** 2, axis=-1, keepdims=True)
    return (x - mu) / jnp.sqrt(var + 1e-5) * g + b


def _k_h(x_ref, w_ref, b_ref, s1_ref, wq1_ref, bq1_ref, gkw_ref, gkb_ref,
         s3_ref, wq3_ref, bq3_ref,
         o_ref, qp1_ref, wl_ref, bl_ref, qp3_ref):
    o_ref[...] = jnp.dot(x_ref[...], w_ref[...],
                         preferred_element_type=jnp.float32) + b_ref[...]

    @pl.when(pl.program_id(0) == 0)
    def _():
        qp1 = jnp.dot(s1_ref[...], wq1_ref[...],
                      preferred_element_type=jnp.float32) + bq1_ref[...]
        qp1_ref[...] = qp1
        gkw = gkw_ref[...]
        gkb = gkb_ref[...]
        wl_parts = []
        bl_parts = []
        for h in range(HEADS):
            qh = qp1[:, h * HD:(h + 1) * HD]
            wh = gkw[:, h * HD:(h + 1) * HD]
            bh = gkb[:, h * HD:(h + 1) * HD]
            wl_parts.append(jax.lax.dot_general(
                wh, qh, (((1,), (1,)), ((), ())),
                preferred_element_type=jnp.float32))
            bl_parts.append(jax.lax.dot_general(
                bh, qh, (((1,), (1,)), ((), ())),
                preferred_element_type=jnp.float32))
        wl_ref[...] = jnp.concatenate(wl_parts, axis=1) * _SCALE
        bl_ref[...] = jnp.concatenate(bl_parts, axis=1) * _SCALE
        qp3_ref[...] = jnp.dot(s3_ref[...], wq3_ref[...],
                               preferred_element_type=jnp.float32) + bq3_ref[...]


def _tc_h(x, w1, b1, s1, wq1, bq1, gkw, gkb, s3, wq3, bq3):
    cst = lambda shp: pl.BlockSpec(shp, lambda i: tuple(0 for _ in shp))
    return pl.pallas_call(
        _k_h,
        grid=(NBLK,),
        in_specs=[
            pl.BlockSpec((RB, D), lambda i: (i, 0)),
            cst((D, HID)), cst((1, HID)),
            cst((S1, HID)), cst((HID, HID)), cst((1, HID)),
            cst((HID, HID)), cst((1, HID)),
            cst((1, HID)), cst((HID, HID)), cst((1, HID)),
        ],
        out_specs=[pl.BlockSpec((RB, HID), lambda i: (i, 0)),
                   cst((S1, HID)), cst((HID, C)), cst((1, C)), cst((1, HID))],
        out_shape=[jax.ShapeDtypeStruct((NPAD, HID), jnp.float32),
                   jax.ShapeDtypeStruct((S1, HID), jnp.float32),
                   jax.ShapeDtypeStruct((HID, C), jnp.float32),
                   jax.ShapeDtypeStruct((1, C), jnp.float32),
                   jax.ShapeDtypeStruct((1, HID), jnp.float32)],
    )(x, w1, b1, s1, wq1, bq1, gkw, gkb, s3, wq3, bq3)


def _k_dis(degp_ref, h_ref, dis_ref, hd_ref):
    deg = jnp.sum(degp_ref[...], axis=0, keepdims=True) + 1.0
    dis = lax.rsqrt(deg)
    disc = dis.reshape(RB, 1)
    dis_ref[...] = disc
    hd_ref[...] = h_ref[...] * disc


def _tc_dis(degp, h):
    return pl.pallas_call(
        _k_dis,
        grid=(NBLK,),
        in_specs=[
            pl.BlockSpec((32, RB), lambda i: (0, i)),
            pl.BlockSpec((RB, HID), lambda i: (i, 0)),
        ],
        out_specs=[pl.BlockSpec((RB, 1), lambda i: (i, 0)),
                   pl.BlockSpec((RB, HID), lambda i: (i, 0))],
        out_shape=[jax.ShapeDtypeStruct((NPAD, 1), jnp.float32),
                   jax.ShapeDtypeStruct((NPAD, HID), jnp.float32)],
    )(degp, h)


def _k_seg(a0_ref, a1_ref, h_ref, dis_ref, gvw_ref, gvb_ref, wl_ref, bl_ref,
           b_ref, d_ref, o_ref, ds, os):
    i = pl.program_id(0)
    dis = dis_ref[...]
    agg = dis * (a0_ref[0] + a1_ref[0]) + h_ref[...] * (dis * dis)
    lb = jnp.dot(agg, wl_ref[...],
                 preferred_element_type=jnp.float32) + bl_ref[...]
    bcol = b_ref[0]
    bmin = b_ref[0, 0, 0]
    bmax = b_ref[0, RB - 1, 0]

    @pl.when(i == 0)
    def _():
        ds[...] = jnp.zeros((B, C), jnp.float32)
        os[...] = jnp.zeros((BP, HID, S1), jnp.float32)

    vb = jnp.dot(agg, gvw_ref[...],
                 preferred_element_type=jnp.float32) + gvb_ref[...]
    onehot = (bcol ==
              lax.broadcasted_iota(jnp.int32, (RB, B), 1)).astype(jnp.float32)
    w = jnp.exp(lb)
    ds[...] += jax.lax.dot_general(onehot, w, (((0,), (0,)), ((), ())),
                                   preferred_element_type=jnp.float32)
    vbt = [jnp.transpose(vb[:, h * HD:(h + 1) * HD]) for h in range(HEADS)]

    def body(b, carry):
        maskf = (bcol == b).astype(jnp.float32)
        wb = w * maskf
        for h in range(HEADS):
            oh = jnp.dot(vbt[h], wb[:, h * S1:(h + 1) * S1],
                         preferred_element_type=jnp.float32)
            os[pl.ds(b, 1), pl.ds(h * HD, HD), :] += oh[None]
        return carry

    lax.fori_loop(bmin, bmax + 1, body, 0)

    @pl.when(i == NBLK - 1)
    def _():
        dd = ds[...]
        d_ref[...] = jnp.where(dd == 0.0, 1.0, dd)
        o_ref[...] = os[0:B]


def _tc_seg(acc, h, dis, gvw, gvb, wl, bl, batchr):
    cst = lambda shp: pl.BlockSpec(shp, lambda i: tuple(0 for _ in shp))
    return pl.pallas_call(
        _k_seg,
        grid=(NBLK,),
        in_specs=[
            pl.BlockSpec((1, RB, HID), lambda i: (0, i, 0)),
            pl.BlockSpec((1, RB, HID), lambda i: (1, i, 0)),
            pl.BlockSpec((RB, HID), lambda i: (i, 0)),
            pl.BlockSpec((RB, 1), lambda i: (i, 0)),
            cst((HID, HID)), cst((1, HID)), cst((HID, C)), cst((1, C)),
            pl.BlockSpec((1, RB, 1), lambda i: (i, 0, 0)),
        ],
        out_specs=[cst((B, C)),
                   pl.BlockSpec((B, HID, S1), lambda i: (0, 0, 0))],
        out_shape=[jax.ShapeDtypeStruct((B, C), jnp.float32),
                   jax.ShapeDtypeStruct((B, HID, S1), jnp.float32)],
        scratch_shapes=[pltpu.VMEM((B, C), jnp.float32),
                        pltpu.VMEM((BP, HID, S1), jnp.float32)],
    )(acc, acc, h, dis, gvw, gvb, wl, bl, batchr)


def _mab_dense(q, k, v, wo, bo, g0, b0, g1, b1):
    parts = []
    for h in range(HEADS):
        qh = q[:, h * HD:(h + 1) * HD]
        kh = k[:, h * HD:(h + 1) * HD]
        vh = v[:, h * HD:(h + 1) * HD]
        sc = jax.lax.dot_general(qh, kh, (((1,), (1,)), ((), ())),
                                 preferred_element_type=jnp.float32) * _SCALE
        mx = jnp.max(sc, axis=-1, keepdims=True)
        e = jnp.exp(sc - mx)
        a = e / jnp.sum(e, axis=-1, keepdims=True)
        parts.append(qh + jnp.dot(a, vh, preferred_element_type=jnp.float32))
    o = jnp.concatenate(parts, axis=1)
    o = _ln(o, g0, b0)
    o = o + jax.nn.relu(jnp.dot(o, wo, preferred_element_type=jnp.float32) + bo)
    return _ln(o, g1, b1)


def _k_tail(o_ref, d_ref, qp1_ref, qp3_ref,
            wo1_ref, bo1_ref, g01_ref, b01_ref, g11_ref, b11_ref,
            wq2_ref, bq2_ref, wk2_ref, bk2_ref, wv2_ref, bv2_ref,
            wo2_ref, bo2_ref, g02_ref, b02_ref, g12_ref, b12_ref,
            wk3_ref, bk3_ref, wv3_ref, bv3_ref,
            wo3_ref, bo3_ref, g03_ref, b03_ref, g13_ref, b13_ref,
            w2_ref, b2_ref, y_ref, q2s, k2s, v2s):
    o_all = o_ref[...]
    d4 = d_ref[...]
    div = jnp.repeat(d4, HD, axis=1)
    attn = jnp.transpose(o_all / div, (0, 2, 1))
    o1 = (qp1_ref[...][None] + attn).reshape(B * S1, HID)
    o1 = _ln(o1, g01_ref[...], b01_ref[...])
    o1 = o1 + jax.nn.relu(jnp.dot(o1, wo1_ref[...],
                                  preferred_element_type=jnp.float32)
                          + bo1_ref[...])
    out1 = _ln(o1, g11_ref[...], b11_ref[...])
    q2s[...] = jnp.dot(out1, wq2_ref[...],
                       preferred_element_type=jnp.float32) + bq2_ref[...]
    k2s[...] = jnp.dot(out1, wk2_ref[...],
                       preferred_element_type=jnp.float32) + bk2_ref[...]
    v2s[...] = jnp.dot(out1, wv2_ref[...],
                       preferred_element_type=jnp.float32) + bv2_ref[...]

    def body(b, carry):
        rows = pl.ds(b * S1, S1)
        out2 = _mab_dense(q2s[rows, :], k2s[rows, :], v2s[rows, :],
                          wo2_ref[...], bo2_ref[...],
                          g02_ref[...], b02_ref[...],
                          g12_ref[...], b12_ref[...])
        k3 = jnp.dot(out2, wk3_ref[...],
                     preferred_element_type=jnp.float32) + bk3_ref[...]
        v3 = jnp.dot(out2, wv3_ref[...],
                     preferred_element_type=jnp.float32) + bv3_ref[...]
        out3 = _mab_dense(qp3_ref[...], k3, v3, wo3_ref[...], bo3_ref[...],
                          g03_ref[...], b03_ref[...],
                          g13_ref[...], b13_ref[...])
        y_ref[pl.ds(b, 1), :] = jnp.dot(out3, w2_ref[...],
                                        preferred_element_type=jnp.float32
                                        ) + b2_ref[...]
        return carry

    lax.fori_loop(0, B, body, 0)


def _tc_tail(o, d4, qp1, qp3, pv):
    vec = lambda: pl.BlockSpec((1, HID), lambda: (0, 0))
    mat = lambda: pl.BlockSpec((HID, HID), lambda: (0, 0))
    full = lambda shp: pl.BlockSpec(shp, lambda: tuple(0 for _ in shp))
    return pl.pallas_call(
        _k_tail,
        grid=(),
        in_specs=[
            full((B, HID, S1)),
            full((B, HEADS, S1)),
            full((S1, HID)),
            vec(),
            mat(), vec(), vec(), vec(), vec(), vec(),
            mat(), vec(), mat(), vec(), mat(), vec(),
            mat(), vec(), vec(), vec(), vec(), vec(),
            mat(), vec(), mat(), vec(),
            mat(), vec(), vec(), vec(), vec(), vec(),
            full((HID, OUT)),
            full((1, OUT)),
        ],
        out_specs=full((B, OUT)),
        out_shape=jax.ShapeDtypeStruct((B, OUT), jnp.float32),
        scratch_shapes=[pltpu.VMEM((B * S1, HID), jnp.float32),
                        pltpu.VMEM((B * S1, HID), jnp.float32),
                        pltpu.VMEM((B * S1, HID), jnp.float32)],
    )(o, d4, qp1, qp3, *pv)


def _sc_deg(dst, zflat):
    mesh = plsc.VectorSubcoreMesh(core_axis_name="c", subcore_axis_name="s")

    @functools.partial(
        pl.kernel, mesh=mesh,
        compiler_params=pltpu.CompilerParams(needs_layout_passes=False),
        out_type=jax.ShapeDtypeStruct((32, NPAD), jnp.float32),
        scratch_types=[pltpu.VMEM((EPT1,), jnp.int32),
                       pltpu.VMEM((NPAD,), jnp.float32)],
    )
    def k(dst_hbm, zf_hbm, out_hbm, idx_v, deg_v):
        cid = lax.axis_index("c")
        sid = lax.axis_index("s")
        wid = sid * 2 + cid
        pltpu.sync_copy(zf_hbm, deg_v)
        pltpu.sync_copy(dst_hbm.at[pl.ds(wid * EPT1, EPT1)], idx_v)
        ones = jnp.ones((16,), jnp.float32)

        def body(j, carry):
            idx16 = idx_v[pl.ds(j * 16, 16)]
            plsc.addupdate_scatter(deg_v, [idx16], ones)
            return carry

        lax.fori_loop(0, EPT1 // 16, body, 0)
        pltpu.sync_copy(deg_v, out_hbm.at[wid])

    return k(dst, zflat)


def _sc_agg(hd_pad, srcp, dstp, zrows):
    mesh = plsc.VectorSubcoreMesh(core_axis_name="c", subcore_axis_name="s")

    @functools.partial(
        pl.kernel, mesh=mesh,
        compiler_params=pltpu.CompilerParams(needs_layout_passes=False),
        out_type=jax.ShapeDtypeStruct((2 * NPAD, HID), jnp.float32),
        scratch_types=[pltpu.VMEM((CSPT, 128), jnp.int32),
                       pltpu.VMEM((CSPT, 128), jnp.int32),
                       pltpu.VMEM((128, HID), jnp.float32),
                       pltpu.VMEM((128, HID), jnp.float32),
                       pltpu.VMEM_SHARED((NPAD, HID), jnp.float32),
                       pltpu.SemaphoreType.DMA,
                       pltpu.SemaphoreType.DMA],
    )
    def k(hd_hbm, srcp_hbm, dstp_hbm, zz_hbm, out_hbm, src_v, dst_v, rows0,
          rows1, acc_sh, sem0, sem1):
        cid = lax.axis_index("c")
        sid = lax.axis_index("s")
        wid = sid * 2 + cid
        pltpu.sync_copy(zz_hbm, acc_sh.at[pl.ds(sid * ROWS_PER_TILE,
                                                ROWS_PER_TILE)])
        plsc.subcore_barrier()
        for c in range(SPT // CSPT):
            pltpu.sync_copy(srcp_hbm.at[wid, pl.ds(c * CSPT, CSPT)], src_v)
            pltpu.sync_copy(dstp_hbm.at[wid, pl.ds(c * CSPT, CSPT)], dst_v)
            pltpu.async_copy(hd_hbm.at[src_v.at[0]], rows0, sem0)

            def body(k2, carry):
                j0 = 2 * k2
                j1 = j0 + 1
                pltpu.async_copy(hd_hbm.at[src_v.at[j1]], rows1, sem1)
                pltpu.make_async_copy(hd_hbm.at[src_v.at[j0]], rows0,
                                      sem0).wait()
                pltpu.sync_copy(rows0, acc_sh.at[dst_v.at[j0]], add=True)

                @pl.when(j1 + 1 < CSPT)
                def _():
                    pltpu.async_copy(hd_hbm.at[src_v.at[j1 + 1]], rows0, sem0)

                pltpu.make_async_copy(hd_hbm.at[src_v.at[j1]], rows1,
                                      sem1).wait()
                pltpu.sync_copy(rows1, acc_sh.at[dst_v.at[j1]], add=True)
                return carry

            lax.fori_loop(0, CSPT // 2, body, 0)
        plsc.subcore_barrier()
        pltpu.sync_copy(
            acc_sh.at[pl.ds(sid * ROWS_PER_TILE, ROWS_PER_TILE)],
            out_hbm.at[pl.ds(cid * NPAD + sid * ROWS_PER_TILE, ROWS_PER_TILE)])

    return k(hd_pad, srcp, dstp, zrows)


def kernel(x, edge_index, batch, params):
    p = params
    src = edge_index[0]
    dst = edge_index[1]

    zrows = jnp.zeros((ROWS_PER_TILE, HID), jnp.float32)
    zflat = jnp.zeros((NPAD,), jnp.float32)
    x_pad = jnp.concatenate([x, jnp.zeros((NPAD - N, D), jnp.float32)])
    batch_pad = jnp.concatenate([batch, jnp.full((NPAD - N,), B, jnp.int32)])
    pad_idx = jnp.arange(EPAD - E, dtype=jnp.int32) % (NPAD - N) + N
    srcp = jnp.concatenate([src, pad_idx]).reshape(32, SPT, 128)
    dstp = jnp.concatenate([dst, pad_idx]).reshape(32, SPT, 128)
    batchr = batch_pad.reshape(NBLK, RB, 1)

    r2 = lambda v: v.reshape(1, -1)

    h, qp1, wl, bl, qp3 = _tc_h(x_pad, p['lin1_W'], r2(p['lin1_b']),
                                p['S1'][0], p['Wq1'], r2(p['bq1']),
                                p['gk_W'], r2(p['gk_b']),
                                p['S3'][0], p['Wq3'], r2(p['bq3']))
    degp = _sc_deg(dst, zflat)
    dis, hd = _tc_dis(degp, h)
    accf = _sc_agg(hd, srcp, dstp, zrows)
    acc = accf.reshape(2, NPAD, HID)
    d, o = _tc_seg(acc, h, dis, p['gv_W'], r2(p['gv_b']), wl, bl, batchr)
    d4 = d.reshape(B, HEADS, S1)
    pv = (p['Wo1'], r2(p['bo1']), r2(p['g0_1']), r2(p['b0_1']),
          r2(p['g1_1']), r2(p['b1_1']),
          p['Wq2'], r2(p['bq2']), p['Wk2'], r2(p['bk2']),
          p['Wv2'], r2(p['bv2']),
          p['Wo2'], r2(p['bo2']), r2(p['g0_2']), r2(p['b0_2']),
          r2(p['g1_2']), r2(p['b1_2']),
          p['Wk3'], r2(p['bk3']), p['Wv3'], r2(p['bv3']),
          p['Wo3'], r2(p['bo3']), r2(p['g0_3']), r2(p['b0_3']),
          r2(p['g1_3']), r2(p['b1_3']),
          p['lin2_W'], r2(p['lin2_b']))
    return _tc_tail(o, d4, qp1, qp3, pv)

# --- scband reference (transcript-rebuilt; emitter-appended) ---
"""Pipeline reference for scband-graph-transformer-network-49950469652899 (READ-ONLY COPY).

The authoritative reference and input builder live on the scoring server;
editing this copy changes nothing except your own understanding.
"""

import math
import jax, jax.numpy as jnp
import numpy as np

N = 10000
E = 320000
D_IN = 128
HID = 128
OUT = 8
HEADS = 4
B = 64
SEEDS1 = 75

def _layer_norm(x, g, b):
    mu = x.mean(axis=-1, keepdims=True)
    var = ((x - mu) ** 2).mean(axis=-1, keepdims=True)
    return (x - mu) / jnp.sqrt(var + 1e-5) * g + b

def _gcn(h, src, dst, W, b):
    n = h.shape[0]
    loop = jnp.arange(n, dtype=src.dtype)
    s = jnp.concatenate([src, loop])
    t = jnp.concatenate([dst, loop])
    hw = h @ W
    ones = jnp.ones(s.shape[0], hw.dtype)
    deg = jnp.zeros(n, hw.dtype).at[t].add(ones)
    dis = jnp.where(deg > 0, 1.0 / jnp.sqrt(deg), 0.0)
    norm = dis[s] * dis[t]
    msg = hw[s] * norm[:, None]
    out = jnp.zeros_like(hw).at[t].add(msg)
    return out + b

def _dense_batch(v, batch, pos, max_nodes):
    return jnp.zeros((B, max_nodes, v.shape[-1]), v.dtype).at[batch, pos].set(v)

def _mab(Q, K, V, Wq, bq, Wo, bo, g0, b0, g1, b1, mask=None):
    Qp = Q @ Wq + bq
    Q_ = jnp.concatenate(jnp.split(Qp, HEADS, axis=2), axis=0)
    K_ = jnp.concatenate(jnp.split(K, HEADS, axis=2), axis=0)
    V_ = jnp.concatenate(jnp.split(V, HEADS, axis=2), axis=0)
    scores = jnp.einsum('bqd,bkd->bqk', Q_, K_) / math.sqrt(HID)
    if mask is not None:
        scores = scores + jnp.concatenate([mask] * HEADS, axis=0)
    A = jax.nn.softmax(scores, axis=-1)
    o = Q_ + jnp.einsum('bqk,bkd->bqd', A, V_)
    o = jnp.concatenate(jnp.split(o, HEADS, axis=0), axis=2)
    o = _layer_norm(o, g0, b0)
    o = o + jax.nn.relu(o @ Wo + bo)
    return _layer_norm(o, g1, b1)

def setup_inputs(seed: int = 0):
    key = jax.random.key(seed)
    ks = jax.random.split(key, 64)
    x = jax.random.normal(ks[0], (N, D_IN), dtype=jnp.float32)
    edge_index = jax.random.randint(ks[1], (2, E), 0, N, dtype=jnp.int32)
    batch = jnp.sort(jax.random.randint(ks[2], (N,), 0, B, dtype=jnp.int32))
    def lin(k, i, o):
        return (jax.random.normal(k, (i, o), jnp.float32) / math.sqrt(i)).astype(jnp.float32)
    p = {}
    p['lin1_W'] = lin(ks[3], D_IN, HID); p['lin1_b'] = jnp.zeros(HID, jnp.float32)
    p['S1'] = jax.random.normal(ks[4], (1, SEEDS1, HID), jnp.float32) * 0.1
    p['Wq1'] = lin(ks[5], HID, HID); p['bq1'] = jnp.zeros(HID, jnp.float32)
    p['gk_W'] = lin(ks[6], HID, HID); p['gk_b'] = jnp.zeros(HID, jnp.float32)
    p['gv_W'] = lin(ks[7], HID, HID); p['gv_b'] = jnp.zeros(HID, jnp.float32)
    p['Wo1'] = lin(ks[8], HID, HID); p['bo1'] = jnp.zeros(HID, jnp.float32)
    p['g0_1'] = jnp.ones(HID, jnp.float32); p['b0_1'] = jnp.zeros(HID, jnp.float32)
    p['g1_1'] = jnp.ones(HID, jnp.float32); p['b1_1'] = jnp.zeros(HID, jnp.float32)
    p['Wq2'] = lin(ks[9], HID, HID); p['bq2'] = jnp.zeros(HID, jnp.float32)
    p['Wk2'] = lin(ks[10], HID, HID); p['bk2'] = jnp.zeros(HID, jnp.float32)
    p['Wv2'] = lin(ks[11], HID, HID); p['bv2'] = jnp.zeros(HID, jnp.float32)
    p['Wo2'] = lin(ks[12], HID, HID); p['bo2'] = jnp.zeros(HID, jnp.float32)
    p['g0_2'] = jnp.ones(HID, jnp.float32); p['b0_2'] = jnp.zeros(HID, jnp.float32)
    p['g1_2'] = jnp.ones(HID, jnp.float32); p['b1_2'] = jnp.zeros(HID, jnp.float32)
    p['S3'] = jax.random.normal(ks[13], (1, 1, HID), jnp.float32) * 0.1
    p['Wq3'] = lin(ks[14], HID, HID); p['bq3'] = jnp.zeros(HID, jnp.float32)
    p['Wk3'] = lin(ks[15], HID, HID); p['bk3'] = jnp.zeros(HID, jnp.float32)
    p['Wv3'] = lin(ks[16], HID, HID); p['bv3'] = jnp.zeros(HID, jnp.float32)
    p['Wo3'] = lin(ks[17], HID, HID); p['bo3'] = jnp.zeros(HID, jnp.float32)
    p['g0_3'] = jnp.ones(HID, jnp.float32); p['b0_3'] = jnp.zeros(HID, jnp.float32)
    p['g1_3'] = jnp.ones(HID, jnp.float32); p['b1_3'] = jnp.zeros(HID, jnp.float32)
    p['lin2_W'] = lin(ks[18], HID, OUT); p['lin2_b'] = jnp.zeros(OUT, jnp.float32)
    return {'x': x, 'edge_index': edge_index, 'batch': batch, 'params': p}

def reference(x, edge_index, batch, params):
    p = params
    counts = jnp.bincount(batch, length=B)
    max_nodes = batch.shape[0]
    starts = jnp.concatenate([jnp.zeros(1, counts.dtype), jnp.cumsum(counts)[:-1]])
    pos = jnp.arange(batch.shape[0]) - starts[batch]
    node_mask = jnp.zeros((B, max_nodes), bool).at[batch, pos].set(True)
    att_mask = jnp.where(node_mask, 0.0, -1e9)[:, None, :].astype(jnp.float32)
    src, dst = edge_index[0], edge_index[1]
    h = x @ p['lin1_W'] + p['lin1_b']
    K1 = _dense_batch(_gcn(h, src, dst, p['gk_W'], p['gk_b']), batch, pos, max_nodes)
    V1 = _dense_batch(_gcn(h, src, dst, p['gv_W'], p['gv_b']), batch, pos, max_nodes)
    Q1 = jnp.broadcast_to(p['S1'], (B, SEEDS1, HID))
    out = _mab(Q1, K1, V1, p['Wq1'], p['bq1'], p['Wo1'], p['bo1'], p['g0_1'], p['b0_1'], p['g1_1'], p['b1_1'], mask=att_mask)
    K2 = out @ p['Wk2'] + p['bk2']
    V2 = out @ p['Wv2'] + p['bv2']
    out = _mab(out, K2, V2, p['Wq2'], p['bq2'], p['Wo2'], p['bo2'], p['g0_2'], p['b0_2'], p['g1_2'], p['b1_2'])
    K3 = out @ p['Wk3'] + p['bk3']
    V3 = out @ p['Wv3'] + p['bv3']
    Q3 = jnp.broadcast_to(p['S3'], (B, 1, HID))
    out = _mab(Q3, K3, V3, p['Wq3'], p['bq3'], p['Wo3'], p['bo3'], p['g0_3'], p['b0_3'], p['g1_3'], p['b1_3'])
    return out[:, 0, :] @ p['lin2_W'] + p['lin2_b']

if __name__ == "__main__":
    import jax
    _d = setup_inputs()
    print(jax.jit(kernel)(*tuple(_d.values())))

</pallas_src>

<mosaic_0001>
#map = affine_map<(d0, d1) -> (0)>
#map1 = affine_map<(d0, d1) -> (0, 0)>
module attributes {stable_mosaic.version = 14 : i64} {
  func.func @k(%arg0: i32, %arg1: i32, %arg2: memref<320000xi32, #tpu.memory_space<hbm>>, %arg3: memref<10240xf32, #tpu.memory_space<hbm>>, %arg4: memref<32x10240xf32, #tpu.memory_space<hbm>>, %arg5: memref<10000xi32, #tpu.memory_space<vmem>>, %arg6: memref<10240xf32, #tpu.memory_space<vmem>>) attributes {dimension_semantics = [#tpu.dimension_semantics<core_parallel>, #tpu.dimension_semantics<subcore_parallel>], iteration_bounds = array<i64: 2, 16>, scalar_prefetch = 0 : i64, scratch_operands = 2 : i64, tpu.core_type = #tpu.core_type<sc_vector_subcore>, window_params = [{transform_indices = #map}, {transform_indices = #map}, {transform_indices = #map1}]} {
    %mul3A = arith.constant 2 : i32
    %mul3A_0 = arith.muli %arg1, %mul3A : i32
    %add3A = arith.addi %mul3A_0, %arg0 : i32
    "tpu.region"() ({
      %run_scoped3A = tpu.sem_alloc : memref<!tpu.dma_semaphore, #tpu.memory_space<semaphore_mem>>
      tpu.enqueue_dma source(%arg3 : memref<10240xf32, #tpu.memory_space<hbm>>) target(%arg6 : memref<10240xf32, #tpu.memory_space<vmem>>) target_semaphore(%run_scoped3A : memref<!tpu.dma_semaphore, #tpu.memory_space<semaphore_mem>>)
      tpu.wait_dma2 semaphore(%run_scoped3A : memref<!tpu.dma_semaphore, #tpu.memory_space<semaphore_mem>>) src(%arg3 : memref<10240xf32, #tpu.memory_space<hbm>>) dst(%arg6 : memref<10240xf32, #tpu.memory_space<vmem>>)
      tpu.yield
    }) : () -> ()
    %mul3A_1 = arith.constant 10000 : i32
    %mul3A_2 = arith.muli %add3A, %mul3A_1 : i32
    "tpu.region"() ({
      %run_scoped3A = tpu.sem_alloc : memref<!tpu.dma_semaphore, #tpu.memory_space<semaphore_mem>>
      %dma_start3A = tpu.memref_slice %arg2[%mul3A_2] : memref<320000xi32, #tpu.memory_space<hbm>> -> memref<10000xi32, #tpu.memory_space<hbm>>
      %dma_start3A_9 = tpu.memref_slice %arg2[%mul3A_2] : memref<320000xi32, #tpu.memory_space<hbm>> -> memref<10000xi32, #tpu.memory_space<hbm>>
      tpu.enqueue_dma source(%dma_start3A_9 : memref<10000xi32, #tpu.memory_space<hbm>>) target(%arg5 : memref<10000xi32, #tpu.memory_space<vmem>>) target_semaphore(%run_scoped3A : memref<!tpu.dma_semaphore, #tpu.memory_space<semaphore_mem>>)
      %dma_wait3A = tpu.memref_slice %arg2[%mul3A_2] : memref<320000xi32, #tpu.memory_space<hbm>> -> memref<10000xi32, #tpu.memory_space<hbm>>
      %dma_wait3A_10 = tpu.memref_slice %arg2[%mul3A_2] : memref<320000xi32, #tpu.memory_space<hbm>> -> memref<10000xi32, #tpu.memory_space<hbm>>
      tpu.wait_dma2 semaphore(%run_scoped3A : memref<!tpu.dma_semaphore, #tpu.memory_space<semaphore_mem>>) src(%dma_wait3A_10 : memref<10000xi32, #tpu.memory_space<hbm>>) dst(%arg5 : memref<10000xi32, #tpu.memory_space<vmem>>)
      tpu.yield
    }) : () -> ()
    %broadcast_in_dim3A = arith.constant 1.000000e+00 : f32
    %broadcast_in_dim3A_3 = vector.broadcast %broadcast_in_dim3A : f32 to vector<16xf32>
    %scan3A = arith.constant 0 : i32
    %scan3A_4 = arith.constant 0 : i32
    %scan3A_5 = arith.constant 625 : i32
    %scan3A_6 = arith.addi %scan3A_4, %scan3A_5 : i32
    %scan3A_7 = arith.constant 1 : i32
    scf.for %scan3A_9 = %scan3A_4 to %scan3A_6 step %scan3A_7  : i32 {
      %mul3A_10 = arith.constant 16 : i32
      %mul3A_11 = arith.muli %scan3A_9, %mul3A_10 : i32
      %get3A = arith.index_cast %mul3A_11 : i32 to index
      %get3A_12 = tpu.vector_load %arg5[%get3A] {strides = array<i32>} : memref<10000xi32, #tpu.memory_space<vmem>>, vector<16xi32>,
      tpu.vector_store_idx %arg6[%get3A_12], %broadcast_in_dim3A_3 {add = true} : memref<10240xf32, #tpu.memory_space<vmem>>[vector<16xi32>], vector<16xf32>,
    }
    %scan3A_8 = arith.constant 625 : i32
    "tpu.region"() ({
      %run_scoped3A = tpu.sem_alloc : memref<!tpu.dma_semaphore, #tpu.memory_space<semaphore_mem>>
      %dma_start3A = arith.constant 0 : i32
      %dma_start3A_9 = tpu.memref_slice %arg4[%add3A, %dma_start3A] : memref<32x10240xf32, #tpu.memory_space<hbm>> -> memref<1x10240xf32, #tpu.memory_space<hbm>>
      %dma_start3A_10 = tpu.memref_squeeze %dma_start3A_9 : memref<1x10240xf32, #tpu.memory_space<hbm>> -> memref<10240xf32, #tpu.memory_space<hbm>>
      %dma_start3A_11 = arith.constant 0 : i32
      %dma_start3A_12 = tpu.memref_slice %arg4[%add3A, %dma_start3A_11] : memref<32x10240xf32, #tpu.memory_space<hbm>> -> memref<1x10240xf32, #tpu.memory_space<hbm>>
      %dma_start3A_13 = tpu.memref_squeeze %dma_start3A_12 : memref<1x10240xf32, #tpu.memory_space<hbm>> -> memref<10240xf32, #tpu.memory_space<hbm>>
      tpu.enqueue_dma source(%arg6 : memref<10240xf32, #tpu.memory_space<vmem>>) target(%dma_start3A_13 : memref<10240xf32, #tpu.memory_space<hbm>>) target_semaphore(%run_scoped3A : memref<!tpu.dma_semaphore, #tpu.memory_space<semaphore_mem>>)
      %dma_wait3A = arith.constant 0 : i32
      %dma_wait3A_14 = tpu.memref_slice %arg4[%add3A, %dma_wait3A] : memref<32x10240xf32, #tpu.memory_space<hbm>> -> memref<1x10240xf32, #tpu.memory_space<hbm>>
      %dma_wait3A_15 = tpu.memref_squeeze %dma_wait3A_14 : memref<1x10240xf32, #tpu.memory_space<hbm>> -> memref<10240xf32, #tpu.memory_space<hbm>>
      %dma_wait3A_16 = arith.constant 0 : i32
      %dma_wait3A_17 = tpu.memref_slice %arg4[%add3A, %dma_wait3A_16] : memref<32x10240xf32, #tpu.memory_space<hbm>> -> memref<1x10240xf32, #tpu.memory_space<hbm>>
      %dma_wait3A_18 = tpu.memref_squeeze %dma_wait3A_17 : memref<1x10240xf32, #tpu.memory_space<hbm>> -> memref<10240xf32, #tpu.memory_space<hbm>>
      tpu.wait_dma2 semaphore(%run_scoped3A : memref<!tpu.dma_semaphore, #tpu.memory_space<semaphore_mem>>) src(%arg6 : memref<10240xf32, #tpu.memory_space<vmem>>) dst(%dma_wait3A_18 : memref<10240xf32, #tpu.memory_space<hbm>>)
      tpu.yield
    }) : () -> ()
    return
  }
}

#map = affine_map<(d0, d1) -> (0, 0)>
#map1 = affine_map<(d0, d1) -> (0, 0, 0)>
module attributes {stable_mosaic.version = 14 : i64} {
  func.func @k(%arg0: i32, %arg1: i32, %arg2: memref<10240x128xf32, #tpu.memory_space<hbm>>, %arg3: memref<32x80x128xi32, #tpu.memory_space<hbm>>, %arg4: memref<32x80x128xi32, #tpu.memory_space<hbm>>, %arg5: memref<640x128xf32, #tpu.memory_space<hbm>>, %arg6: memref<20480x128xf32, #tpu.memory_space<hbm>>, %arg7: memref<40x128xi32, #tpu.memory_space<vmem>>, %arg8: memref<40x128xi32, #tpu.memory_space<vmem>>, %arg9: memref<128x128xf32, #tpu.memory_space<vmem>>, %arg10: memref<128x128xf32, #tpu.memory_space<vmem>>, %arg11: memref<10240x128xf32, #tpu.memory_space<vmem_shared>>, %arg12: memref<!tpu.dma_semaphore, #tpu.memory_space<semaphore_mem>>, %arg13: memref<!tpu.dma_semaphore, #tpu.memory_space<semaphore_mem>>) attributes {dimension_semantics = [#tpu.dimension_semantics<core_parallel>, #tpu.dimension_semantics<subcore_parallel>], iteration_bounds = array<i64: 2, 16>, scalar_prefetch = 0 : i64, scratch_operands = 7 : i64, tpu.core_type = #tpu.core_type<sc_vector_subcore>, window_params = [{transform_indices = #map}, {transform_indices = #map1}, {transform_indices = #map1}, {transform_indices = #map}, {transform_indices = #map}]} {
    %mul3A = arith.constant 2 : i32
    %mul3A_0 = arith.muli %arg1, %mul3A : i32
    %add3A = arith.addi %mul3A_0, %arg0 : i32
    %mul3A_1 = arith.constant 640 : i32
    %mul3A_2 = arith.muli %arg1, %mul3A_1 : i32
    "tpu.region"() ({
      %run_scoped3A = tpu.sem_alloc : memref<!tpu.dma_semaphore, #tpu.memory_space<semaphore_mem>>
      %dma_start3A_35 = arith.constant 0 : i32
      %dma_start3A_36 = tpu.memref_slice %arg11[%mul3A_2, %dma_start3A_35] : memref<10240x128xf32, #tpu.memory_space<vmem_shared>> -> memref<640x128xf32, #tpu.memory_space<vmem_shared>>
      tpu.enqueue_dma source(%arg5 : memref<640x128xf32, #tpu.memory_space<hbm>>) target(%dma_start3A_36 : memref<640x128xf32, #tpu.memory_space<vmem_shared>>) target_semaphore(%run_scoped3A : memref<!tpu.dma_semaphore, #tpu.memory_space<semaphore_mem>>)
      %dma_wait3A = arith.constant 0 : i32
      %dma_wait3A_37 = tpu.memref_slice %arg11[%mul3A_2, %dma_wait3A] : memref<10240x128xf32, #tpu.memory_space<vmem_shared>> -> memref<640x128xf32, #tpu.memory_space<vmem_shared>>
      tpu.wait_dma2 semaphore(%run_scoped3A : memref<!tpu.dma_semaphore, #tpu.memory_space<semaphore_mem>>) src(%arg5 : memref<640x128xf32, #tpu.memory_space<hbm>>) dst(%dma_wait3A_37 : memref<640x128xf32, #tpu.memory_space<vmem_shared>>)
      tpu.yield
    }) : () -> ()
    %barrier3A = arith.constant 0 : index
    tpu.barrier barrier_id(%barrier3A)
    "tpu.region"() ({
      %run_scoped3A = tpu.sem_alloc : memref<!tpu.dma_semaphore, #tpu.memory_space<semaphore_mem>>
      %dma_start3A_35 = arith.constant 0 : i32
      %dma_start3A_36 = arith.constant 0 : i32
      %dma_start3A_37 = tpu.memref_slice %arg3[%add3A, %dma_start3A_35, %dma_start3A_36] : memref<32x80x128xi32, #tpu.memory_space<hbm>> -> memref<1x40x128xi32, #tpu.memory_space<hbm>>
      %dma_start3A_38 = tpu.memref_squeeze %dma_start3A_37 : memref<1x40x128xi32, #tpu.memory_space<hbm>> -> memref<40x128xi32, #tpu.memory_space<hbm>>
      %dma_start3A_39 = arith.constant 0 : i32
      %dma_start3A_40 = arith.constant 0 : i32
      %dma_start3A_41 = tpu.memref_slice %arg3[%add3A, %dma_start3A_39, %dma_start3A_40] : memref<32x80x128xi32, #tpu.memory_space<hbm>> -> memref<1x40x128xi32, #tpu.memory_space<hbm>>
      %dma_start3A_42 = tpu.memref_squeeze %dma_start3A_41 : memref<1x40x128xi32, #tpu.memory_space<hbm>> -> memref<40x128xi32, #tpu.memory_space<hbm>>
      tpu.enqueue_dma source(%dma_start3A_42 : memref<40x128xi32, #tpu.memory_space<hbm>>) target(%arg7 : memref<40x128xi32, #tpu.memory_space<vmem>>) target_semaphore(%run_scoped3A : memref<!tpu.dma_semaphore, #tpu.memory_space<semaphore_mem>>)
      %dma_wait3A = arith.constant 0 : i32
      %dma_wait3A_43 = arith.constant 0 : i32
      %dma_wait3A_44 = tpu.memref_slice %arg3[%add3A, %dma_wait3A, %dma_wait3A_43] : memref<32x80x128xi32, #tpu.memory_space<hbm>> -> memref<1x40x128xi32, #tpu.memory_space<hbm>>
      %dma_wait3A_45 = tpu.memref_squeeze %dma_wait3A_44 : memref<1x40x128xi32, #tpu.memory_space<hbm>> -> memref<40x128xi32, #tpu.memory_space<hbm>>
      %dma_wait3A_46 = arith.constant 0 : i32
      %dma_wait3A_47 = arith.constant 0 : i32
      %dma_wait3A_48 = tpu.memref_slice %arg3[%add3A, %dma_wait3A_46, %dma_wait3A_47] : memref<32x80x128xi32, #tpu.memory_space<hbm>> -> memref<1x40x128xi32, #tpu.memory_space<hbm>>
      %dma_wait3A_49 = tpu.memref_squeeze %dma_wait3A_48 : memref<1x40x128xi32, #tpu.memory_space<hbm>> -> memref<40x128xi32, #tpu.memory_space<hbm>>
      tpu.wait_dma2 semaphore(%run_scoped3A : memref<!tpu.dma_semaphore, #tpu.memory_space<semaphore_mem>>) src(%dma_wait3A_49 : memref<40x128xi32, #tpu.memory_space<hbm>>) dst(%arg7 : memref<40x128xi32, #tpu.memory_space<vmem>>)
      tpu.yield
    }) : () -> ()
    "tpu.region"() ({
      %run_scoped3A = tpu.sem_alloc : memref<!tpu.dma_semaphore, #tpu.memory_space<semaphore_mem>>
      %dma_start3A_35 = arith.constant 0 : i32
      %dma_start3A_36 = arith.constant 0 : i32
      %dma_start3A_37 = tpu.memref_slice %arg4[%add3A, %dma_start3A_35, %dma_start3A_36] : memref<32x80x128xi32, #tpu.memory_space<hbm>> -> memref<1x40x128xi32, #tpu.memory_space<hbm>>
      %dma_start3A_38 = tpu.memref_squeeze %dma_start3A_37 : memref<1x40x128xi32, #tpu.memory_space<hbm>> -> memref<40x128xi32, #tpu.memory_space<hbm>>
      %dma_start3A_39 = arith.constant 0 : i32
      %dma_start3A_40 = arith.constant 0 : i32
      %dma_start3A_41 = tpu.memref_slice %arg4[%add3A, %dma_start3A_39, %dma_start3A_40] : memref<32x80x128xi32, #tpu.memory_space<hbm>> -> memref<1x40x128xi32, #tpu.memory_space<hbm>>
      %dma_start3A_42 = tpu.memref_squeeze %dma_start3A_41 : memref<1x40x128xi32, #tpu.memory_space<hbm>> -> memref<40x128xi32, #tpu.memory_space<hbm>>
      tpu.enqueue_dma source(%dma_start3A_42 : memref<40x128xi32, #tpu.memory_space<hbm>>) target(%arg8 : memref<40x128xi32, #tpu.memory_space<vmem>>) target_semaphore(%run_scoped3A : memref<!tpu.dma_semaphore, #tpu.memory_space<semaphore_mem>>)
      %dma_wait3A = arith.constant 0 : i32
      %dma_wait3A_43 = arith.constant 0 : i32
      %dma_wait3A_44 = tpu.memref_slice %arg4[%add3A, %dma_wait3A, %dma_wait3A_43] : memref<32x80x128xi32, #tpu.memory_space<hbm>> -> memref<1x40x128xi32, #tpu.memory_space<hbm>>
      %dma_wait3A_45 = tpu.memref_squeeze %dma_wait3A_44 : memref<1x40x128xi32, #tpu.memory_space<hbm>> -> memref<40x128xi32, #tpu.memory_space<hbm>>
      %dma_wait3A_46 = arith.constant 0 : i32
      %dma_wait3A_47 = arith.constant 0 : i32
      %dma_wait3A_48 = tpu.memref_slice %arg4[%add3A, %dma_wait3A_46, %dma_wait3A_47] : memref<32x80x128xi32, #tpu.memory_space<hbm>> -> memref<1x40x128xi32, #tpu.memory_space<hbm>>
      %dma_wait3A_49 = tpu.memref_squeeze %dma_wait3A_48 : memref<1x40x128xi32, #tpu.memory_space<hbm>> -> memref<40x128xi32, #tpu.memory_space<hbm>>
      tpu.wait_dma2 semaphore(%run_scoped3A : memref<!tpu.dma_semaphore, #tpu.memory_space<semaphore_mem>>) src(%dma_wait3A_49 : memref<40x128xi32, #tpu.memory_space<hbm>>) dst(%arg8 : memref<40x128xi32, #tpu.memory_space<vmem>>)
      tpu.yield
    }) : () -> ()
    %dma_start3A = arith.constant 0 : i32
    %dma_start3A_3 = arith.constant 0 : i32
    %dma_start3A_4 = tpu.memref_slice %arg7[%dma_start3A, %dma_start3A_3] : memref<40x128xi32, #tpu.memory_space<vmem>> -> memref<1x128xi32, #tpu.memory_space<vmem>>
    %dma_start3A_5 = tpu.memref_squeeze %dma_start3A_4 : memref<1x128xi32, #tpu.memory_space<vmem>> -> memref<128xi32, #tpu.memory_space<vmem>>
    %dma_start3A_6 = arith.constant 0 : i32
    %dma_start3A_7 = arith.constant 0 : i32
    %dma_start3A_8 = tpu.memref_slice %arg2[%dma_start3A_6, %dma_start3A_7] : memref<10240x128xf32, #tpu.memory_space<hbm>> -> memref<10240x128xf32, #tpu.memory_space<hbm>>
    tpu.enqueue_indirect_dma source(%dma_start3A_8 : memref<10240x128xf32, #tpu.memory_space<hbm>>) target(%arg9 : memref<128x128xf32, #tpu.memory_space<vmem>>) offsets(%dma_start3A_5 : memref<128xi32, #tpu.memory_space<vmem>>) semaphore(%arg12 : memref<!tpu.dma_semaphore, #tpu.memory_space<semaphore_mem>>)
    %scan3A = arith.constant 0 : i32
    %scan3A_9 = arith.constant 0 : i32
    %scan3A_10 = arith.constant 20 : i32
    %scan3A_11 = arith.addi %scan3A_9, %scan3A_10 : i32
    %scan3A_12 = arith.constant 1 : i32
    scf.for %scan3A_35 = %scan3A_9 to %scan3A_11 step %scan3A_12  : i32 {
      %mul3A_36 = arith.constant 2 : i32
      %mul3A_37 = arith.muli %mul3A_36, %scan3A_35 : i32
      %add3A_38 = arith.constant 1 : i32
      %add3A_39 = arith.addi %mul3A_37, %add3A_38 : i32
      %dma_start3A_40 = arith.constant 0 : i32
      %dma_start3A_41 = tpu.memref_slice %arg7[%add3A_39, %dma_start3A_40] : memref<40x128xi32, #tpu.memory_space<vmem>> -> memref<1x128xi32, #tpu.memory_space<vmem>>
      %dma_start3A_42 = tpu.memref_squeeze %dma_start3A_41 : memref<1x128xi32, #tpu.memory_space<vmem>> -> memref<128xi32, #tpu.memory_space<vmem>>
      %dma_start3A_43 = arith.constant 0 : i32
      %dma_start3A_44 = arith.constant 0 : i32
      %dma_start3A_45 = tpu.memref_slice %arg2[%dma_start3A_43, %dma_start3A_44] : memref<10240x128xf32, #tpu.memory_space<hbm>> -> memref<10240x128xf32, #tpu.memory_space<hbm>>
      tpu.enqueue_indirect_dma source(%dma_start3A_45 : memref<10240x128xf32, #tpu.memory_space<hbm>>) target(%arg10 : memref<128x128xf32, #tpu.memory_space<vmem>>) offsets(%dma_start3A_42 : memref<128xi32, #tpu.memory_space<vmem>>) semaphore(%arg13 : memref<!tpu.dma_semaphore, #tpu.memory_space<semaphore_mem>>)
      %dma_wait3A = arith.constant 0 : i32
      %dma_wait3A_46 = tpu.memref_slice %arg7[%mul3A_37, %dma_wait3A] : memref<40x128xi32, #tpu.memory_space<vmem>> -> memref<1x128xi32, #tpu.memory_space<vmem>>
      %dma_wait3A_47 = tpu.memref_squeeze %dma_wait3A_46 : memref<1x128xi32, #tpu.memory_space<vmem>> -> memref<128xi32, #tpu.memory_space<vmem>>
      %dma_wait3A_48 = arith.constant 0 : i32
      %dma_wait3A_49 = arith.constant 0 : i32
      %dma_wait3A_50 = tpu.memref_slice %arg2[%dma_wait3A_48, %dma_wait3A_49] : memref<10240x128xf32, #tpu.memory_space<hbm>> -> memref<10240x128xf32, #tpu.memory_space<hbm>>
      tpu.wait_indirect_dma semaphore(%arg12 : memref<!tpu.dma_semaphore, #tpu.memory_space<semaphore_mem>>) src(%dma_wait3A_50 : memref<10240x128xf32, #tpu.memory_space<hbm>>) dst(%arg9 : memref<128x128xf32, #tpu.memory_space<vmem>>)
      "tpu.region"() ({
        %run_scoped3A = tpu.sem_alloc : memref<!tpu.dma_semaphore, #tpu.memory_space<semaphore_mem>>
        %dma_start3A_61 = arith.constant 0 : i32
        %dma_start3A_62 = tpu.memref_slice %arg8[%mul3A_37, %dma_start3A_61] : memref<40x128xi32, #tpu.memory_space<vmem>> -> memref<1x128xi32, #tpu.memory_space<vmem>>
        %dma_start3A_63 = tpu.memref_squeeze %dma_start3A_62 : memref<1x128xi32, #tpu.memory_space<vmem>> -> memref<128xi32, #tpu.memory_space<vmem>>
        %dma_start3A_64 = arith.constant 0 : i32
        %dma_start3A_65 = arith.constant 0 : i32
        %dma_start3A_66 = tpu.memref_slice %arg11[%dma_start3A_64, %dma_start3A_65] : memref<10240x128xf32, #tpu.memory_space<vmem_shared>> -> memref<10240x128xf32, #tpu.memory_space<vmem_shared>>
        tpu.enqueue_indirect_dma source(%arg9 : memref<128x128xf32, #tpu.memory_space<vmem>>) target(%dma_start3A_66 : memref<10240x128xf32, #tpu.memory_space<vmem_shared>>) offsets(%dma_start3A_63 : memref<128xi32, #tpu.memory_space<vmem>>) semaphore(%run_scoped3A : memref<!tpu.dma_semaphore, #tpu.memory_space<semaphore_mem>>) {add = true}
        %dma_wait3A_67 = arith.constant 0 : i32
        %dma_wait3A_68 = tpu.memref_slice %arg8[%mul3A_37, %dma_wait3A_67] : memref<40x128xi32, #tpu.memory_space<vmem>> -> memref<1x128xi32, #tpu.memory_space<vmem>>
        %dma_wait3A_69 = tpu.memref_squeeze %dma_wait3A_68 : memref<1x128xi32, #tpu.memory_space<vmem>> -> memref<128xi32, #tpu.memory_space<vmem>>
        %dma_wait3A_70 = arith.constant 0 : i32
        %dma_wait3A_71 = arith.constant 0 : i32
        %dma_wait3A_72 = tpu.memref_slice %arg11[%dma_wait3A_70, %dma_wait3A_71] : memref<10240x128xf32, #tpu.memory_space<vmem_shared>> -> memref<10240x128xf32, #tpu.memory_space<vmem_shared>>
        tpu.wait_indirect_dma semaphore(%run_scoped3A : memref<!tpu.dma_semaphore, #tpu.memory_space<semaphore_mem>>) src(%arg9 : memref<128x128xf32, #tpu.memory_space<vmem>>) dst(%dma_wait3A_72 : memref<10240x128xf32, #tpu.memory_space<vmem_shared>>)
        tpu.yield
      }) : () -> ()
      %add3A_51 = arith.constant 1 : i32
      %add3A_52 = arith.addi %add3A_39, %add3A_51 : i32
      %lt3A = arith.constant 40 : i32
      %lt3A_53 = arith.cmpi slt, %add3A_52, %lt3A : i32
      %convert_element_type3A = arith.extui %lt3A_53 : i1 to i32
      %cond3A = arith.constant 0 : i32
      %cond3A_54 = arith.cmpi ne, %convert_element_type3A, %cond3A : i32
      scf.if %cond3A_54 {
        %add3A_61 = arith.constant 1 : i32
        %add3A_62 = arith.addi %add3A_39, %add3A_61 : i32
        %dma_start3A_63 = arith.constant 0 : i32
        %dma_start3A_64 = tpu.memref_slice %arg7[%add3A_62, %dma_start3A_63] : memref<40x128xi32, #tpu.memory_space<vmem>> -> memref<1x128xi32, #tpu.memory_space<vmem>>
        %dma_start3A_65 = tpu.memref_squeeze %dma_start3A_64 : memref<1x128xi32, #tpu.memory_space<vmem>> -> memref<128xi32, #tpu.memory_space<vmem>>
        %dma_start3A_66 = arith.constant 0 : i32
        %dma_start3A_67 = arith.constant 0 : i32
        %dma_start3A_68 = tpu.memref_slice %arg2[%dma_start3A_66, %dma_start3A_67] : memref<10240x128xf32, #tpu.memory_space<hbm>> -> memref<10240x128xf32, #tpu.memory_space<hbm>>
        tpu.enqueue_indirect_dma source(%dma_start3A_68 : memref<10240x128xf32, #tpu.memory_space<hbm>>) target(%arg9 : memref<128x128xf32, #tpu.memory_space<vmem>>) offsets(%dma_start3A_65 : memref<128xi32, #tpu.memory_space<vmem>>) semaphore(%arg12 : memref<!tpu.dma_semaphore, #tpu.memory_space<semaphore_mem>>)
      } else {
      }
      %dma_wait3A_55 = arith.constant 0 : i32
      %dma_wait3A_56 = tpu.memref_slice %arg7[%add3A_39, %dma_wait3A_55] : memref<40x128xi32, #tpu.memory_space<vmem>> -> memref<1x128xi32, #tpu.memory_space<vmem>>
      %dma_wait3A_57 = tpu.memref_squeeze %dma_wait3A_56 : memref<1x128xi32, #tpu.memory_space<vmem>> -> memref<128xi32, #tpu.memory_space<vmem>>
      %dma_wait3A_58 = arith.constant 0 : i32
      %dma_wait3A_59 = arith.constant 0 : i32
      %dma_wait3A_60 = tpu.memref_slice %arg2[%dma_wait3A_58, %dma_wait3A_59] : memref<10240x128xf32, #tpu.memory_space<hbm>> -> memref<10240x128xf32, #tpu.memory_space<hbm>>
      tpu.wait_indirect_dma semaphore(%arg13 : memref<!tpu.dma_semaphore, #tpu.memory_space<semaphore_mem>>) src(%dma_wait3A_60 : memref<10240x128xf32, #tpu.memory_space<hbm>>) dst(%arg10 : memref<128x128xf32, #tpu.memory_space<vmem>>)
      "tpu.region"() ({
        %run_scoped3A = tpu.sem_alloc : memref<!tpu.dma_semaphore, #tpu.memory_space<semaphore_mem>>
        %dma_start3A_61 = arith.constant 0 : i32
        %dma_start3A_62 = tpu.memref_slice %arg8[%add3A_39, %dma_start3A_61] : memref<40x128xi32, #tpu.memory_space<vmem>> -> memref<1x128xi32, #tpu.memory_space<vmem>>
        %dma_start3A_63 = tpu.memref_squeeze %dma_start3A_62 : memref<1x128xi32, #tpu.memory_space<vmem>> -> memref<128xi32, #tpu.memory_space<vmem>>
        %dma_start3A_64 = arith.constant 0 : i32
        %dma_start3A_65 = arith.constant 0 : i32
        %dma_start3A_66 = tpu.memref_slice %arg11[%dma_start3A_64, %dma_start3A_65] : memref<10240x128xf32, #tpu.memory_space<vmem_shared>> -> memref<10240x128xf32, #tpu.memory_space<vmem_shared>>
        tpu.enqueue_indirect_dma source(%arg10 : memref<128x128xf32, #tpu.memory_space<vmem>>) target(%dma_start3A_66 : memref<10240x128xf32, #tpu.memory_space<vmem_shared>>) offsets(%dma_start3A_63 : memref<128xi32, #tpu.memory_space<vmem>>) semaphore(%run_scoped3A : memref<!tpu.dma_semaphore, #tpu.memory_space<semaphore_mem>>) {add = true}
        %dma_wait3A_67 = arith.constant 0 : i32
        %dma_wait3A_68 = tpu.memref_slice %arg8[%add3A_39, %dma_wait3A_67] : memref<40x128xi32, #tpu.memory_space<vmem>> -> memref<1x128xi32, #tpu.memory_space<vmem>>
        %dma_wait3A_69 = tpu.memref_squeeze %dma_wait3A_68 : memref<1x128xi32, #tpu.memory_space<vmem>> -> memref<128xi32, #tpu.memory_space<vmem>>
        %dma_wait3A_70 = arith.constant 0 : i32
        %dma_wait3A_71 = arith.constant 0 : i32
        %dma_wait3A_72 = tpu.memref_slice %arg11[%dma_wait3A_70, %dma_wait3A_71] : memref<10240x128xf32, #tpu.memory_space<vmem_shared>> -> memref<10240x128xf32, #tpu.memory_space<vmem_shared>>
        tpu.wait_indirect_dma semaphore(%run_scoped3A : memref<!tpu.dma_semaphore, #tpu.memory_space<semaphore_mem>>) src(%arg10 : memref<128x128xf32, #tpu.memory_space<vmem>>) dst(%dma_wait3A_72 : memref<10240x128xf32, #tpu.memory_space<vmem_shared>>)
        tpu.yield
      }) : () -> ()
    }
    %scan3A_13 = arith.constant 20 : i32
    "tpu.region"() ({
      %run_scoped3A = tpu.sem_alloc : memref<!tpu.dma_semaphore, #tpu.memory_space<semaphore_mem>>
      %dma_start3A_35 = arith.constant 40 : i32
      %dma_start3A_36 = arith.constant 0 : i32
      %dma_start3A_37 = tpu.memref_slice %arg3[%add3A, %dma_start3A_35, %dma_start3A_36] : memref<32x80x128xi32, #tpu.memory_space<hbm>> -> memref<1x40x128xi32, #tpu.memory_space<hbm>>
      %dma_start3A_38 = tpu.memref_squeeze %dma_start3A_37 : memref<1x40x128xi32, #tpu.memory_space<hbm>> -> memref<40x128xi32, #tpu.memory_space<hbm>>
      %dma_start3A_39 = arith.constant 40 : i32
      %dma_start3A_40 = arith.constant 0 : i32
      %dma_start3A_41 = tpu.memref_slice %arg3[%add3A, %dma_start3A_39, %dma_start3A_40] : memref<32x80x128xi32, #tpu.memory_space<hbm>> -> memref<1x40x128xi32, #tpu.memory_space<hbm>>
      %dma_start3A_42 = tpu.memref_squeeze %dma_start3A_41 : memref<1x40x128xi32, #tpu.memory_space<hbm>> -> memref<40x128xi32, #tpu.memory_space<hbm>>
      tpu.enqueue_dma source(%dma_start3A_42 : memref<40x128xi32, #tpu.memory_space<hbm>>) target(%arg7 : memref<40x128xi32, #tpu.memory_space<vmem>>) target_semaphore(%run_scoped3A : memref<!tpu.dma_semaphore, #tpu.memory_space<semaphore_mem>>)
      %dma_wait3A = arith.constant 40 : i32
      %dma_wait3A_43 = arith.constant 0 : i32
      %dma_wait3A_44 = tpu.memref_slice %arg3[%add3A, %dma_wait3A, %dma_wait3A_43] : memref<32x80x128xi32, #tpu.memory_space<hbm>> -> memref<1x40x128xi32, #tpu.memory_space<hbm>>
      %dma_wait3A_45 = tpu.memref_squeeze %dma_wait3A_44 : memref<1x40x128xi32, #tpu.memory_space<hbm>> -> memref<40x128xi32, #tpu.memory_space<hbm>>
      %dma_wait3A_46 = arith.constant 40 : i32
      %dma_wait3A_47 = arith.constant 0 : i32
      %dma_wait3A_48 = tpu.memref_slice %arg3[%add3A, %dma_wait3A_46, %dma_wait3A_47] : memref<32x80x128xi32, #tpu.memory_space<hbm>> -> memref<1x40x128xi32, #tpu.memory_space<hbm>>
      %dma_wait3A_49 = tpu.memref_squeeze %dma_wait3A_48 : memref<1x40x128xi32, #tpu.memory_space<hbm>> -> memref<40x128xi32, #tpu.memory_space<hbm>>
      tpu.wait_dma2 semaphore(%run_scoped3A : memref<!tpu.dma_semaphore, #tpu.memory_space<semaphore_mem>>) src(%dma_wait3A_49 : memref<40x128xi32, #tpu.memory_space<hbm>>) dst(%arg7 : memref<40x128xi32, #tpu.memory_space<vmem>>)
      tpu.yield
    }) : () -> ()
    "tpu.region"() ({
      %run_scoped3A = tpu.sem_alloc : memref<!tpu.dma_semaphore, #tpu.memory_space<semaphore_mem>>
      %dma_start3A_35 = arith.constant 40 : i32
      %dma_start3A_36 = arith.constant 0 : i32
      %dma_start3A_37 = tpu.memref_slice %arg4[%add3A, %dma_start3A_35, %dma_start3A_36] : memref<32x80x128xi32, #tpu.memory_space<hbm>> -> memref<1x40x128xi32, #tpu.memory_space<hbm>>
      %dma_start3A_38 = tpu.memref_squeeze %dma_start3A_37 : memref<1x40x128xi32, #tpu.memory_space<hbm>> -> memref<40x128xi32, #tpu.memory_space<hbm>>
      %dma_start3A_39 = arith.constant 40 : i32
      %dma_start3A_40 = arith.constant 0 : i32
      %dma_start3A_41 = tpu.memref_slice %arg4[%add3A, %dma_start3A_39, %dma_start3A_40] : memref<32x80x128xi32, #tpu.memory_space<hbm>> -> memref<1x40x128xi32, #tpu.memory_space<hbm>>
      %dma_start3A_42 = tpu.memref_squeeze %dma_start3A_41 : memref<1x40x128xi32, #tpu.memory_space<hbm>> -> memref<40x128xi32, #tpu.memory_space<hbm>>
      tpu.enqueue_dma source(%dma_start3A_42 : memref<40x128xi32, #tpu.memory_space<hbm>>) target(%arg8 : memref<40x128xi32, #tpu.memory_space<vmem>>) target_semaphore(%run_scoped3A : memref<!tpu.dma_semaphore, #tpu.memory_space<semaphore_mem>>)
      %dma_wait3A = arith.constant 40 : i32
      %dma_wait3A_43 = arith.constant 0 : i32
      %dma_wait3A_44 = tpu.memref_slice %arg4[%add3A, %dma_wait3A, %dma_wait3A_43] : memref<32x80x128xi32, #tpu.memory_space<hbm>> -> memref<1x40x128xi32, #tpu.memory_space<hbm>>
      %dma_wait3A_45 = tpu.memref_squeeze %dma_wait3A_44 : memref<1x40x128xi32, #tpu.memory_space<hbm>> -> memref<40x128xi32, #tpu.memory_space<hbm>>
      %dma_wait3A_46 = arith.constant 40 : i32
      %dma_wait3A_47 = arith.constant 0 : i32
      %dma_wait3A_48 = tpu.memref_slice %arg4[%add3A, %dma_wait3A_46, %dma_wait3A_47] : memref<32x80x128xi32, #tpu.memory_space<hbm>> -> memref<1x40x128xi32, #tpu.memory_space<hbm>>
      %dma_wait3A_49 = tpu.memref_squeeze %dma_wait3A_48 : memref<1x40x128xi32, #tpu.memory_space<hbm>> -> memref<40x128xi32, #tpu.memory_space<hbm>>
      tpu.wait_dma2 semaphore(%run_scoped3A : memref<!tpu.dma_semaphore, #tpu.memory_space<semaphore_mem>>) src(%dma_wait3A_49 : memref<40x128xi32, #tpu.memory_space<hbm>>) dst(%arg8 : memref<40x128xi32, #tpu.memory_space<vmem>>)
      tpu.yield
    }) : () -> ()
    %dma_start3A_14 = arith.constant 0 : i32
    %dma_start3A_15 = arith.constant 0 : i32
    %dma_start3A_16 = tpu.memref_slice %arg7[%dma_start3A_14, %dma_start3A_15] : memref<40x128xi32, #tpu.memory_space<vmem>> -> memref<1x128xi32, #tpu.memory_space<vmem>>
    %dma_start3A_17 = tpu.memref_squeeze %dma_start3A_16 : memref<1x128xi32, #tpu.memory_space<vmem>> -> memref<128xi32, #tpu.memory_space<vmem>>
    %dma_start3A_18 = arith.constant 0 : i32
    %dma_start3A_19 = arith.constant 0 : i32
    %dma_start3A_20 = tpu.memref_slice %arg2[%dma_start3A_18, %dma_start3A_19] : memref<10240x128xf32, #tpu.memory_space<hbm>> -> memref<10240x128xf32, #tpu.memory_space<hbm>>
    tpu.enqueue_indirect_dma source(%dma_start3A_20 : memref<10240x128xf32, #tpu.memory_space<hbm>>) target(%arg9 : memref<128x128xf32, #tpu.memory_space<vmem>>) offsets(%dma_start3A_17 : memref<128xi32, #tpu.memory_space<vmem>>) semaphore(%arg12 : memref<!tpu.dma_semaphore, #tpu.memory_space<semaphore_mem>>)
    %scan3A_21 = arith.constant 0 : i32
    %scan3A_22 = arith.constant 0 : i32
    %scan3A_23 = arith.constant 20 : i32
    %scan3A_24 = arith.addi %scan3A_22, %scan3A_23 : i32
    %scan3A_25 = arith.constant 1 : i32
    scf.for %scan3A_35 = %scan3A_22 to %scan3A_24 step %scan3A_25  : i32 {
      %mul3A_36 = arith.constant 2 : i32
      %mul3A_37 = arith.muli %mul3A_36, %scan3A_35 : i32
      %add3A_38 = arith.constant 1 : i32
      %add3A_39 = arith.addi %mul3A_37, %add3A_38 : i32
      %dma_start3A_40 = arith.constant 0 : i32
      %dma_start3A_41 = tpu.memref_slice %arg7[%add3A_39, %dma_start3A_40] : memref<40x128xi32, #tpu.memory_space<vmem>> -> memref<1x128xi32, #tpu.memory_space<vmem>>
      %dma_start3A_42 = tpu.memref_squeeze %dma_start3A_41 : memref<1x128xi32, #tpu.memory_space<vmem>> -> memref<128xi32, #tpu.memory_space<vmem>>
      %dma_start3A_43 = arith.constant 0 : i32
      %dma_start3A_44 = arith.constant 0 : i32
      %dma_start3A_45 = tpu.memref_slice %arg2[%dma_start3A_43, %dma_start3A_44] : memref<10240x128xf32, #tpu.memory_space<hbm>> -> memref<10240x128xf32, #tpu.memory_space<hbm>>
      tpu.enqueue_indirect_dma source(%dma_start3A_45 : memref<10240x128xf32, #tpu.memory_space<hbm>>) target(%arg10 : memref<128x128xf32, #tpu.memory_space<vmem>>) offsets(%dma_start3A_42 : memref<128xi32, #tpu.memory_space<vmem>>) semaphore(%arg13 : memref<!tpu.dma_semaphore, #tpu.memory_space<semaphore_mem>>)
      %dma_wait3A = arith.constant 0 : i32
      %dma_wait3A_46 = tpu.memref_slice %arg7[%mul3A_37, %dma_wait3A] : memref<40x128xi32, #tpu.memory_space<vmem>> -> memref<1x128xi32, #tpu.memory_space<vmem>>
      %dma_wait3A_47 = tpu.memref_squeeze %dma_wait3A_46 : memref<1x128xi32, #tpu.memory_space<vmem>> -> memref<128xi32, #tpu.memory_space<vmem>>
      %dma_wait3A_48 = arith.constant 0 : i32
      %dma_wait3A_49 = arith.constant 0 : i32
      %dma_wait3A_50 = tpu.memref_slice %arg2[%dma_wait3A_48, %dma_wait3A_49] : memref<10240x128xf32, #tpu.memory_space<hbm>> -> memref<10240x128xf32, #tpu.memory_space<hbm>>
      tpu.wait_indirect_dma semaphore(%arg12 : memref<!tpu.dma_semaphore, #tpu.memory_space<semaphore_mem>>) src(%dma_wait3A_50 : memref<10240x128xf32, #tpu.memory_space<hbm>>) dst(%arg9 : memref<128x128xf32, #tpu.memory_space<vmem>>)
      "tpu.region"() ({
        %run_scoped3A = tpu.sem_alloc : memref<!tpu.dma_semaphore, #tpu.memory_space<semaphore_mem>>
        %dma_start3A_61 = arith.constant 0 : i32
        %dma_start3A_62 = tpu.memref_slice %arg8[%mul3A_37, %dma_start3A_61] : memref<40x128xi32, #tpu.memory_space<vmem>> -> memref<1x128xi32, #tpu.memory_space<vmem>>
        %dma_start3A_63 = tpu.memref_squeeze %dma_start3A_62 : memref<1x128xi32, #tpu.memory_space<vmem>> -> memref<128xi32, #tpu.memory_space<vmem>>
        %dma_start3A_64 = arith.constant 0 : i32
        %dma_start3A_65 = arith.constant 0 : i32
        %dma_start3A_66 = tpu.memref_slice %arg11[%dma_start3A_64, %dma_start3A_65] : memref<10240x128xf32, #tpu.memory_space<vmem_shared>> -> memref<10240x128xf32, #tpu.memory_space<vmem_shared>>
        tpu.enqueue_indirect_dma source(%arg9 : memref<128x128xf32, #tpu.memory_space<vmem>>) target(%dma_start3A_66 : memref<10240x128xf32, #tpu.memory_space<vmem_shared>>) offsets(%dma_start3A_63 : memref<128xi32, #tpu.memory_space<vmem>>) semaphore(%run_scoped3A : memref<!tpu.dma_semaphore, #tpu.memory_space<semaphore_mem>>) {add = true}
        %dma_wait3A_67 = arith.constant 0 : i32
        %dma_wait3A_68 = tpu.memref_slice %arg8[%mul3A_37, %dma_wait3A_67] : memref<40x128xi32, #tpu.memory_space<vmem>> -> memref<1x128xi32, #tpu.memory_space<vmem>>
        %dma_wait3A_69 = tpu.memref_squeeze %dma_wait3A_68 : memref<1x128xi32, #tpu.memory_space<vmem>> -> memref<128xi32, #tpu.memory_space<vmem>>
        %dma_wait3A_70 = arith.constant 0 : i32
        %dma_wait3A_71 = arith.constant 0 : i32
        %dma_wait3A_72 = tpu.memref_slice %arg11[%dma_wait3A_70, %dma_wait3A_71] : memref<10240x128xf32, #tpu.memory_space<vmem_shared>> -> memref<10240x128xf32, #tpu.memory_space<vmem_shared>>
        tpu.wait_indirect_dma semaphore(%run_scoped3A : memref<!tpu.dma_semaphore, #tpu.memory_space<semaphore_mem>>) src(%arg9 : memref<128x128xf32, #tpu.memory_space<vmem>>) dst(%dma_wait3A_72 : memref<10240x128xf32, #tpu.memory_space<vmem_shared>>)
        tpu.yield
      }) : () -> ()
      %add3A_51 = arith.constant 1 : i32
      %add3A_52 = arith.addi %add3A_39, %add3A_51 : i32
      %lt3A = arith.constant 40 : i32
      %lt3A_53 = arith.cmpi slt, %add3A_52, %lt3A : i32
      %convert_element_type3A = arith.extui %lt3A_53 : i1 to i32
      %cond3A = arith.constant 0 : i32
      %cond3A_54 = arith.cmpi ne, %convert_element_type3A, %cond3A : i32
      scf.if %cond3A_54 {
        %add3A_61 = arith.constant 1 : i32
        %add3A_62 = arith.addi %add3A_39, %add3A_61 : i32
        %dma_start3A_63 = arith.constant 0 : i32
        %dma_start3A_64 = tpu.memref_slice %arg7[%add3A_62, %dma_start3A_63] : memref<40x128xi32, #tpu.memory_space<vmem>> -> memref<1x128xi32, #tpu.memory_space<vmem>>
        %dma_start3A_65 = tpu.memref_squeeze %dma_start3A_64 : memref<1x128xi32, #tpu.memory_space<vmem>> -> memref<128xi32, #tpu.memory_space<vmem>>
        %dma_start3A_66 = arith.constant 0 : i32
        %dma_start3A_67 = arith.constant 0 : i32
        %dma_start3A_68 = tpu.memref_slice %arg2[%dma_start3A_66, %dma_start3A_67] : memref<10240x128xf32, #tpu.memory_space<hbm>> -> memref<10240x128xf32, #tpu.memory_space<hbm>>
        tpu.enqueue_indirect_dma source(%dma_start3A_68 : memref<10240x128xf32, #tpu.memory_space<hbm>>) target(%arg9 : memref<128x128xf32, #tpu.memory_space<vmem>>) offsets(%dma_start3A_65 : memref<128xi32, #tpu.memory_space<vmem>>) semaphore(%arg12 : memref<!tpu.dma_semaphore, #tpu.memory_space<semaphore_mem>>)
      } else {
      }
      %dma_wait3A_55 = arith.constant 0 : i32
      %dma_wait3A_56 = tpu.memref_slice %arg7[%add3A_39, %dma_wait3A_55] : memref<40x128xi32, #tpu.memory_space<vmem>> -> memref<1x128xi32, #tpu.memory_space<vmem>>
      %dma_wait3A_57 = tpu.memref_squeeze %dma_wait3A_56 : memref<1x128xi32, #tpu.memory_space<vmem>> -> memref<128xi32, #tpu.memory_space<vmem>>
      %dma_wait3A_58 = arith.constant 0 : i32
      %dma_wait3A_59 = arith.constant 0 : i32
      %dma_wait3A_60 = tpu.memref_slice %arg2[%dma_wait3A_58, %dma_wait3A_59] : memref<10240x128xf32, #tpu.memory_space<hbm>> -> memref<10240x128xf32, #tpu.memory_space<hbm>>
      tpu.wait_indirect_dma semaphore(%arg13 : memref<!tpu.dma_semaphore, #tpu.memory_space<semaphore_mem>>) src(%dma_wait3A_60 : memref<10240x128xf32, #tpu.memory_space<hbm>>) dst(%arg10 : memref<128x128xf32, #tpu.memory_space<vmem>>)
      "tpu.region"() ({
        %run_scoped3A = tpu.sem_alloc : memref<!tpu.dma_semaphore, #tpu.memory_space<semaphore_mem>>
        %dma_start3A_61 = arith.constant 0 : i32
        %dma_start3A_62 = tpu.memref_slice %arg8[%add3A_39, %dma_start3A_61] : memref<40x128xi32, #tpu.memory_space<vmem>> -> memref<1x128xi32, #tpu.memory_space<vmem>>
        %dma_start3A_63 = tpu.memref_squeeze %dma_start3A_62 : memref<1x128xi32, #tpu.memory_space<vmem>> -> memref<128xi32, #tpu.memory_space<vmem>>
        %dma_start3A_64 = arith.constant 0 : i32
        %dma_start3A_65 = arith.constant 0 : i32
        %dma_start3A_66 = tpu.memref_slice %arg11[%dma_start3A_64, %dma_start3A_65] : memref<10240x128xf32, #tpu.memory_space<vmem_shared>> -> memref<10240x128xf32, #tpu.memory_space<vmem_shared>>
        tpu.enqueue_indirect_dma source(%arg10 : memref<128x128xf32, #tpu.memory_space<vmem>>) target(%dma_start3A_66 : memref<10240x128xf32, #tpu.memory_space<vmem_shared>>) offsets(%dma_start3A_63 : memref<128xi32, #tpu.memory_space<vmem>>) semaphore(%run_scoped3A : memref<!tpu.dma_semaphore, #tpu.memory_space<semaphore_mem>>) {add = true}
        %dma_wait3A_67 = arith.constant 0 : i32
        %dma_wait3A_68 = tpu.memref_slice %arg8[%add3A_39, %dma_wait3A_67] : memref<40x128xi32, #tpu.memory_space<vmem>> -> memref<1x128xi32, #tpu.memory_space<vmem>>
        %dma_wait3A_69 = tpu.memref_squeeze %dma_wait3A_68 : memref<1x128xi32, #tpu.memory_space<vmem>> -> memref<128xi32, #tpu.memory_space<vmem>>
        %dma_wait3A_70 = arith.constant 0 : i32
        %dma_wait3A_71 = arith.constant 0 : i32
        %dma_wait3A_72 = tpu.memref_slice %arg11[%dma_wait3A_70, %dma_wait3A_71] : memref<10240x128xf32, #tpu.memory_space<vmem_shared>> -> memref<10240x128xf32, #tpu.memory_space<vmem_shared>>
        tpu.wait_indirect_dma semaphore(%run_scoped3A : memref<!tpu.dma_semaphore, #tpu.memory_space<semaphore_mem>>) src(%arg10 : memref<128x128xf32, #tpu.memory_space<vmem>>) dst(%dma_wait3A_72 : memref<10240x128xf32, #tpu.memory_space<vmem_shared>>)
        tpu.yield
      }) : () -> ()
    }
    %scan3A_26 = arith.constant 20 : i32
    %barrier3A_27 = arith.constant 0 : index
    tpu.barrier barrier_id(%barrier3A_27)
    %mul3A_28 = arith.constant 640 : i32
    %mul3A_29 = arith.muli %arg1, %mul3A_28 : i32
    %mul3A_30 = arith.constant 10240 : i32
    %mul3A_31 = arith.muli %arg0, %mul3A_30 : i32
    %mul3A_32 = arith.constant 640 : i32
    %mul3A_33 = arith.muli %arg1, %mul3A_32 : i32
    %add3A_34 = arith.addi %mul3A_31, %mul3A_33 : i32
    "tpu.region"() ({
      %run_scoped3A = tpu.sem_alloc : memref<!tpu.dma_semaphore, #tpu.memory_space<semaphore_mem>>
      %dma_start3A_35 = arith.constant 0 : i32
      %dma_start3A_36 = tpu.memref_slice %arg6[%add3A_34, %dma_start3A_35] : memref<20480x128xf32, #tpu.memory_space<hbm>> -> memref<640x128xf32, #tpu.memory_space<hbm>>
      %dma_start3A_37 = arith.constant 0 : i32
      %dma_start3A_38 = tpu.memref_slice %arg11[%mul3A_29, %dma_start3A_37] : memref<10240x128xf32, #tpu.memory_space<vmem_shared>> -> memref<640x128xf32, #tpu.memory_space<vmem_shared>>
      tpu.enqueue_dma source(%dma_start3A_38 : memref<640x128xf32, #tpu.memory_space<vmem_shared>>) target(%dma_start3A_36 : memref<640x128xf32, #tpu.memory_space<hbm>>) target_semaphore(%run_scoped3A : memref<!tpu.dma_semaphore, #tpu.memory_space<semaphore_mem>>)
      %dma_wait3A = arith.constant 0 : i32
      %dma_wait3A_39 = tpu.memref_slice %arg6[%add3A_34, %dma_wait3A] : memref<20480x128xf32, #tpu.memory_space<hbm>> -> memref<640x128xf32, #tpu.memory_space<hbm>>
      %dma_wait3A_40 = arith.constant 0 : i32
      %dma_wait3A_41 = tpu.memref_slice %arg11[%mul3A_29, %dma_wait3A_40] : memref<10240x128xf32, #tpu.memory_space<vmem_shared>> -> memref<640x128xf32, #tpu.memory_space<vmem_shared>>
      tpu.wait_dma2 semaphore(%run_scoped3A : memref<!tpu.dma_semaphore, #tpu.memory_space<semaphore_mem>>) src(%dma_wait3A_41 : memref<640x128xf32, #tpu.memory_space<vmem_shared>>) dst(%dma_wait3A_39 : memref<640x128xf32, #tpu.memory_space<hbm>>)
      tpu.yield
    }) : () -> ()
    return
  }
}

module attributes {stable_mosaic.version = 14 : i64} {
  func.func @_k_h(%arg0: i32, %arg1: memref<1024x128xf32, #tpu.memory_space<vmem>>, %arg2: memref<128x128xf32, #tpu.memory_space<vmem>>, %arg3: memref<1x128xf32, #tpu.memory_space<vmem>>, %arg4: memref<75x128xf32, #tpu.memory_space<vmem>>, %arg5: memref<128x128xf32, #tpu.memory_space<vmem>>, %arg6: memref<1x128xf32, #tpu.memory_space<vmem>>, %arg7: memref<128x128xf32, #tpu.memory_space<vmem>>, %arg8: memref<1x128xf32, #tpu.memory_space<vmem>>, %arg9: memref<1x128xf32, #tpu.memory_space<vmem>>, %arg10: memref<128x128xf32, #tpu.memory_space<vmem>>, %arg11: memref<1x128xf32, #tpu.memory_space<vmem>>, %arg12: memref<1024x128xf32, #tpu.memory_space<vmem>>, %arg13: memref<75x128xf32, #tpu.memory_space<vmem>>, %arg14: memref<128x300xf32, #tpu.memory_space<vmem>>, %arg15: memref<1x300xf32, #tpu.memory_space<vmem>>, %arg16: memref<1x128xf32, #tpu.memory_space<vmem>>) attributes {dimension_semantics = [#tpu.dimension_semantics<arbitrary>], iteration_bounds = array<i64: 10>, scalar_prefetch = 0 : i64, scratch_operands = 0 : i64, tpu.core_type = #tpu.core_type<tc>, window_params = [{transform_indices = @transform_0, window_bounds = array<i64: 1024, 128>}, {pipeline_mode = #tpu.pipeline_mode<synchronous>, transform_indices = @transform_1, window_bounds = array<i64: 128, 128>}, {pipeline_mode = #tpu.pipeline_mode<synchronous>, transform_indices = @transform_2, window_bounds = array<i64: 1, 128>}, {pipeline_mode = #tpu.pipeline_mode<synchronous>, transform_indices = @transform_3, window_bounds = array<i64: 75, 128>}, {pipeline_mode = #tpu.pipeline_mode<synchronous>, transform_indices = @transform_4, window_bounds = array<i64: 128, 128>}, {pipeline_mode = #tpu.pipeline_mode<synchronous>, transform_indices = @transform_5, window_bounds = array<i64: 1, 128>}, {pipeline_mode = #tpu.pipeline_mode<synchronous>, transform_indices = @transform_6, window_bounds = array<i64: 128, 128>}, {pipeline_mode = #tpu.pipeline_mode<synchronous>, transform_indices = @transform_7, window_bounds = array<i64: 1, 128>}, {pipeline_mode = #tpu.pipeline_mode<synchronous>, transform_indices = @transform_8, window_bounds = array<i64: 1, 128>}, {pipeline_mode = #tpu.pipeline_mode<synchronous>, transform_indices = @transform_9, window_bounds = array<i64: 128, 128>}, {pipeline_mode = #tpu.pipeline_mode<synchronous>, transform_indices = @transform_10, window_bounds = array<i64: 1, 128>}, {transform_indices = @transform_11, window_bounds = array<i64: 1024, 128>}, {pipeline_mode = #tpu.pipeline_mode<synchronous>, transform_indices = @transform_12, window_bounds = array<i64: 75, 128>}, {pipeline_mode = #tpu.pipeline_mode<synchronous>, transform_indices = @transform_13, window_bounds = array<i64: 128, 300>}, {pipeline_mode = #tpu.pipeline_mode<synchronous>, transform_indices = @transform_14, window_bounds = array<i64: 1, 300>}, {pipeline_mode = #tpu.pipeline_mode<synchronous>, transform_indices = @transform_15, window_bounds = array<i64: 1, 128>}]} {
    %get3A = arith.constant 0 : index
    %get3A_0 = arith.constant 0 : index
    %get3A_1 = vector.load %arg1[%get3A, %get3A_0] : memref<1024x128xf32, #tpu.memory_space<vmem>>, vector<1024x128xf32>
    %get3A_2 = arith.constant 0 : index
    %get3A_3 = arith.constant 0 : index
    %get3A_4 = vector.load %arg2[%get3A_2, %get3A_3] : memref<128x128xf32, #tpu.memory_space<vmem>>, vector<128x128xf32>
    %dot_general3A = arith.constant dense<0.000000e+00> : vector<1024x128xf32>
    %dot_general3A_5 = tpu.matmul %get3A_1, %get3A_4, %dot_general3A {dimension_numbers = #tpu.dot_dimension_numbers<[1], [0], [0], [1], [0, 0, 1, 1], [], []>, transpose_lhs_hint = false} : vector<1024x128xf32>, vector<128x128xf32>, vector<1024x128xf32> -> vector<1024x128xf32>
    %get3A_6 = arith.constant 0 : index
    %get3A_7 = arith.constant 0 : index
    %get3A_8 = vector.load %arg3[%get3A_6, %get3A_7] : memref<1x128xf32, #tpu.memory_space<vmem>>, vector<1x128xf32>
    %add3A = vector.broadcast %get3A_8 : vector<1x128xf32> to vector<1024x128xf32>
    %add3A_9 = arith.addf %dot_general3A_5, %add3A : vector<1024x128xf32>
    %swap3A = arith.constant 0 : index
    %swap3A_10 = arith.constant 0 : index
    %swap3A_11 = vector.load %arg12[%swap3A, %swap3A_10] : memref<1024x128xf32, #tpu.memory_space<vmem>>, vector<1024x128xf32>
    tpu.vector_store %arg12[%swap3A, %swap3A_10], %add3A_9 {strides = array<i32>} : memref<1024x128xf32, #tpu.memory_space<vmem>>, vector<1024x128xf32>,
    %eq3A = arith.constant 0 : i32
    %eq3A_12 = arith.cmpi eq, %arg0, %eq3A : i32
    %convert_element_type3A = arith.extui %eq3A_12 : i1 to i32
    %cond3A = arith.constant 0 : i32
    %cond3A_13 = arith.cmpi ne, %convert_element_type3A, %cond3A : i32
    scf.if %cond3A_13 {
      %get3A_14 = arith.constant 0 : index
      %get3A_15 = arith.constant 0 : index
      %get3A_16 = vector.load %arg4[%get3A_14, %get3A_15] : memref<75x128xf32, #tpu.memory_space<vmem>>, vector<75x128xf32>
      %get3A_17 = arith.constant 0 : index
      %get3A_18 = arith.constant 0 : index
      %get3A_19 = vector.load %arg5[%get3A_17, %get3A_18] : memref<128x128xf32, #tpu.memory_space<vmem>>, vector<128x128xf32>
      %dot_general3A_20 = arith.constant dense<0.000000e+00> : vector<75x128xf32>
      %dot_general3A_21 = tpu.matmul %get3A_16, %get3A_19, %dot_general3A_20 {dimension_numbers = #tpu.dot_dimension_numbers<[1], [0], [0], [1], [0, 0, 1, 1], [], []>, transpose_lhs_hint = false} : vector<75x128xf32>, vector<128x128xf32>, vector<75x128xf32> -> vector<75x128xf32>
      %get3A_22 = arith.constant 0 : index
      %get3A_23 = arith.constant 0 : index
      %get3A_24 = vector.load %arg6[%get3A_22, %get3A_23] : memref<1x128xf32, #tpu.memory_space<vmem>>, vector<1x128xf32>
      %add3A_25 = vector.broadcast %get3A_24 : vector<1x128xf32> to vector<75x128xf32>
      %add3A_26 = arith.addf %dot_general3A_21, %add3A_25 : vector<75x128xf32>
      %swap3A_27 = arith.constant 0 : index
      %swap3A_28 = arith.constant 0 : index
      %swap3A_29 = vector.load %arg13[%swap3A_27, %swap3A_28] : memref<75x128xf32, #tpu.memory_space<vmem>>, vector<75x128xf32>
      tpu.vector_store %arg13[%swap3A_27, %swap3A_28], %add3A_26 {strides = array<i32>} : memref<75x128xf32, #tpu.memory_space<vmem>>, vector<75x128xf32>,
      %get3A_30 = arith.constant 0 : index
      %get3A_31 = arith.constant 0 : index
      %get3A_32 = vector.load %arg7[%get3A_30, %get3A_31] : memref<128x128xf32, #tpu.memory_space<vmem>>, vector<128x128xf32>
      %get3A_33 = arith.constant 0 : index
      %get3A_34 = arith.constant 0 : index
      %get3A_35 = vector.load %arg8[%get3A_33, %get3A_34] : memref<1x128xf32, #tpu.memory_space<vmem>>, vector<1x128xf32>
      %slice3A = vector.extract_strided_slice %add3A_26 {offsets = [0, 0], sizes = [75, 32], strides = [1, 1]} : vector<75x128xf32> to vector<75x32xf32>
      %slice3A_36 = vector.extract_strided_slice %get3A_32 {offsets = [0, 0], sizes = [128, 32], strides = [1, 1]} : vector<128x128xf32> to vector<128x32xf32>
      %slice3A_37 = vector.extract_strided_slice %get3A_35 {offsets = [0, 0], sizes = [1, 32], strides = [1, 1]} : vector<1x128xf32> to vector<1x32xf32>
      %dot_general3A_38 = arith.constant dense<0.000000e+00> : vector<128x75xf32>
      %dot_general3A_39 = tpu.matmul %slice3A_36, %slice3A, %dot_general3A_38 {dimension_numbers = #tpu.dot_dimension_numbers<[1], [1], [0], [0], [0, 0, 1, 0], [], []>, transpose_lhs_hint = false} : vector<128x32xf32>, vector<75x32xf32>, vector<128x75xf32> -> vector<128x75xf32>
      %dot_general3A_40 = arith.constant dense<0.000000e+00> : vector<1x75xf32>
      %dot_general3A_41 = tpu.matmul %slice3A_37, %slice3A, %dot_general3A_40 {dimension_numbers = #tpu.dot_dimension_numbers<[1], [1], [0], [0], [0, 0, 1, 0], [], []>, transpose_lhs_hint = false} : vector<1x32xf32>, vector<75x32xf32>, vector<1x75xf32> -> vector<1x75xf32>
      %slice3A_42 = vector.extract_strided_slice %add3A_26 {offsets = [0, 32], sizes = [75, 32], strides = [1, 1]} : vector<75x128xf32> to vector<75x32xf32>
      %slice3A_43 = vector.extract_strided_slice %get3A_32 {offsets = [0, 32], sizes = [128, 32], strides = [1, 1]} : vector<128x128xf32> to vector<128x32xf32>
      %slice3A_44 = vector.extract_strided_slice %get3A_35 {offsets = [0, 32], sizes = [1, 32], strides = [1, 1]} : vector<1x128xf32> to vector<1x32xf32>
      %dot_general3A_45 = arith.constant dense<0.000000e+00> : vector<128x75xf32>
      %dot_general3A_46 = tpu.matmul %slice3A_43, %slice3A_42, %dot_general3A_45 {dimension_numbers = #tpu.dot_dimension_numbers<[1], [1], [0], [0], [0, 0, 1, 0], [], []>, transpose_lhs_hint = false} : vector<128x32xf32>, vector<75x32xf32>, vector<128x75xf32> -> vector<128x75xf32>
      %dot_general3A_47 = arith.constant dense<0.000000e+00> : vector<1x75xf32>
      %dot_general3A_48 = tpu.matmul %slice3A_44, %slice3A_42, %dot_general3A_47 {dimension_numbers = #tpu.dot_dimension_numbers<[1], [1], [0], [0], [0, 0, 1, 0], [], []>, transpose_lhs_hint = false} : vector<1x32xf32>, vector<75x32xf32>, vector<1x75xf32> -> vector<1x75xf32>
      %slice3A_49 = vector.extract_strided_slice %add3A_26 {offsets = [0, 64], sizes = [75, 32], strides = [1, 1]} : vector<75x128xf32> to vector<75x32xf32>
      %slice3A_50 = vector.extract_strided_slice %get3A_32 {offsets = [0, 64], sizes = [128, 32], strides = [1, 1]} : vector<128x128xf32> to vector<128x32xf32>
      %slice3A_51 = vector.extract_strided_slice %get3A_35 {offsets = [0, 64], sizes = [1, 32], strides = [1, 1]} : vector<1x128xf32> to vector<1x32xf32>
      %dot_general3A_52 = arith.constant dense<0.000000e+00> : vector<128x75xf32>
      %dot_general3A_53 = tpu.matmul %slice3A_50, %slice3A_49, %dot_general3A_52 {dimension_numbers = #tpu.dot_dimension_numbers<[1], [1], [0], [0], [0, 0, 1, 0], [], []>, transpose_lhs_hint = false} : vector<128x32xf32>, vector<75x32xf32>, vector<128x75xf32> -> vector<128x75xf32>
      %dot_general3A_54 = arith.constant dense<0.000000e+00> : vector<1x75xf32>
      %dot_general3A_55 = tpu.matmul %slice3A_51, %slice3A_49, %dot_general3A_54 {dimension_numbers = #tpu.dot_dimension_numbers<[1], [1], [0], [0], [0, 0, 1, 0], [], []>, transpose_lhs_hint = false} : vector<1x32xf32>, vector<75x32xf32>, vector<1x75xf32> -> vector<1x75xf32>
      %slice3A_56 = vector.extract_strided_slice %add3A_26 {offsets = [0, 96], sizes = [75, 32], strides = [1, 1]} : vector<75x128xf32> to vector<75x32xf32>
      %slice3A_57 = vector.extract_strided_slice %get3A_32 {offsets = [0, 96], sizes = [128, 32], strides = [1, 1]} : vector<128x128xf32> to vector<128x32xf32>
      %slice3A_58 = vector.extract_strided_slice %get3A_35 {offsets = [0, 96], sizes = [1, 32], strides = [1, 1]} : vector<1x128xf32> to vector<1x32xf32>
      %dot_general3A_59 = arith.constant dense<0.000000e+00> : vector<128x75xf32>
      %dot_general3A_60 = tpu.matmul %slice3A_57, %slice3A_56, %dot_general3A_59 {dimension_numbers = #tpu.dot_dimension_numbers<[1], [1], [0], [0], [0, 0, 1, 0], [], []>, transpose_lhs_hint = false} : vector<128x32xf32>, vector<75x32xf32>, vector<128x75xf32> -> vector<128x75xf32>
      %dot_general3A_61 = arith.constant dense<0.000000e+00> : vector<1x75xf32>
      %dot_general3A_62 = tpu.matmul %slice3A_58, %slice3A_56, %dot_general3A_61 {dimension_numbers = #tpu.dot_dimension_numbers<[1], [1], [0], [0], [0, 0, 1, 0], [], []>, transpose_lhs_hint = false} : vector<1x32xf32>, vector<75x32xf32>, vector<1x75xf32> -> vector<1x75xf32>
      %concatenate3A = tpu.concatenate %dot_general3A_39, %dot_general3A_46, %dot_general3A_53, %dot_general3A_60 in 1 : vector<128x75xf32>, vector<128x75xf32>, vector<128x75xf32>, vector<128x75xf32> -> vector<128x300xf32>
      %mul3A = arith.constant 0.0883883461 : f32
      %mul3A_63 = vector.broadcast %mul3A : f32 to vector<128x300xf32>
      %mul3A_64 = arith.mulf %concatenate3A, %mul3A_63 : vector<128x300xf32>
      %swap3A_65 = arith.constant 0 : index
      %swap3A_66 = arith.constant 0 : index
      %swap3A_67 = vector.load %arg14[%swap3A_65, %swap3A_66] : memref<128x300xf32, #tpu.memory_space<vmem>>, vector<128x300xf32>
      tpu.vector_store %arg14[%swap3A_65, %swap3A_66], %mul3A_64 {strides = array<i32>} : memref<128x300xf32, #tpu.memory_space<vmem>>, vector<128x300xf32>,
      %concatenate3A_68 = tpu.concatenate %dot_general3A_41, %dot_general3A_48, %dot_general3A_55, %dot_general3A_62 in 1 : vector<1x75xf32>, vector<1x75xf32>, vector<1x75xf32>, vector<1x75xf32> -> vector<1x300xf32>
      %mul3A_69 = arith.constant 0.0883883461 : f32
      %mul3A_70 = vector.broadcast %mul3A_69 : f32 to vector<1x300xf32>
      %mul3A_71 = arith.mulf %concatenate3A_68, %mul3A_70 : vector<1x300xf32>
      %swap3A_72 = arith.constant 0 : index
      %swap3A_73 = arith.constant 0 : index
      %swap3A_74 = vector.load %arg15[%swap3A_72, %swap3A_73] : memref<1x300xf32, #tpu.memory_space<vmem>>, vector<1x300xf32>
      tpu.vector_store %arg15[%swap3A_72, %swap3A_73], %mul3A_71 {strides = array<i32>} : memref<1x300xf32, #tpu.memory_space<vmem>>, vector<1x300xf32>,
      %get3A_75 = arith.constant 0 : index
      %get3A_76 = arith.constant 0 : index
      %get3A_77 = vector.load %arg9[%get3A_75, %get3A_76] : memref<1x128xf32, #tpu.memory_space<vmem>>, vector<1x128xf32>
      %get3A_78 = arith.constant 0 : index
      %get3A_79 = arith.constant 0 : index
      %get3A_80 = vector.load %arg10[%get3A_78, %get3A_79] : memref<128x128xf32, #tpu.memory_space<vmem>>, vector<128x128xf32>
      %dot_general3A_81 = arith.constant dense<0.000000e+00> : vector<1x128xf32>
      %dot_general3A_82 = tpu.matmul %get3A_77, %get3A_80, %dot_general3A_81 {dimension_numbers = #tpu.dot_dimension_numbers<[1], [0], [0], [1], [0, 0, 1, 1], [], []>, transpose_lhs_hint = false} : vector<1x128xf32>, vector<128x128xf32>, vector<1x128xf32> -> vector<1x128xf32>
      %get3A_83 = arith.constant 0 : index
      %get3A_84 = arith.constant 0 : index
      %get3A_85 = vector.load %arg11[%get3A_83, %get3A_84] : memref<1x128xf32, #tpu.memory_space<vmem>>, vector<1x128xf32>
      %add3A_86 = arith.addf %dot_general3A_82, %get3A_85 : vector<1x128xf32>
      %swap3A_87 = arith.constant 0 : index
      %swap3A_88 = arith.constant 0 : index
      %swap3A_89 = vector.load %arg16[%swap3A_87, %swap3A_88] : memref<1x128xf32, #tpu.memory_space<vmem>>, vector<1x128xf32>
      tpu.vector_store %arg16[%swap3A_87, %swap3A_88], %add3A_86 {strides = array<i32>} : memref<1x128xf32, #tpu.memory_space<vmem>>, vector<1x128xf32>,
    } else {
    }
    return
  }
  func.func @transform_0(%arg0: i32) -> (i32, i32) {
    %c0_i32 = arith.constant 0 : i32
    %c0_i32_0 = arith.constant 0 : i32
    return %arg0, %c0_i32 : i32, i32
  }
  func.func @transform_1(%arg0: i32) -> (i32, i32) {
    %c0_i32 = arith.constant 0 : i32
    %c0_i32_0 = arith.constant 0 : i32
    %c0_i32_1 = arith.constant 0 : i32
    return %c0_i32, %c0_i32_0 : i32, i32
  }
  func.func @transform_2(%arg0: i32) -> (i32, i32) {
    %c0_i32 = arith.constant 0 : i32
    %c0_i32_0 = arith.constant 0 : i32
    %c0_i32_1 = arith.constant 0 : i32
    return %c0_i32, %c0_i32_0 : i32, i32
  }
  func.func @transform_3(%arg0: i32) -> (i32, i32) {
    %c0_i32 = arith.constant 0 : i32
    %c0_i32_0 = arith.constant 0 : i32
    %c0_i32_1 = arith.constant 0 : i32
    return %c0_i32, %c0_i32_0 : i32, i32
  }
  func.func @transform_4(%arg0: i32) -> (i32, i32) {
    %c0_i32 = arith.constant 0 : i32
    %c0_i32_0 = arith.constant 0 : i32
    %c0_i32_1 = arith.constant 0 : i32
    return %c0_i32, %c0_i32_0 : i32, i32
  }
  func.func @transform_5(%arg0: i32) -> (i32, i32) {
    %c0_i32 = arith.constant 0 : i32
    %c0_i32_0 = arith.constant 0 : i32
    %c0_i32_1 = arith.constant 0 : i32
    return %c0_i32, %c0_i32_0 : i32, i32
  }
  func.func @transform_6(%arg0: i32) -> (i32, i32) {
    %c0_i32 = arith.constant 0 : i32
    %c0_i32_0 = arith.constant 0 : i32
    %c0_i32_1 = arith.constant 0 : i32
    return %c0_i32, %c0_i32_0 : i32, i32
  }
  func.func @transform_7(%arg0: i32) -> (i32, i32) {
    %c0_i32 = arith.constant 0 : i32
    %c0_i32_0 = arith.constant 0 : i32
    %c0_i32_1 = arith.constant 0 : i32
    return %c0_i32, %c0_i32_0 : i32, i32
  }
  func.func @transform_8(%arg0: i32) -> (i32, i32) {
    %c0_i32 = arith.constant 0 : i32
    %c0_i32_0 = arith.constant 0 : i32
    %c0_i32_1 = arith.constant 0 : i32
    return %c0_i32, %c0_i32_0 : i32, i32
  }
  func.func @transform_9(%arg0: i32) -> (i32, i32) {
    %c0_i32 = arith.constant 0 : i32
    %c0_i32_0 = arith.constant 0 : i32
    %c0_i32_1 = arith.constant 0 : i32
    return %c0_i32, %c0_i32_0 : i32, i32
  }
  func.func @transform_10(%arg0: i32) -> (i32, i32) {
    %c0_i32 = arith.constant 0 : i32
    %c0_i32_0 = arith.constant 0 : i32
    %c0_i32_1 = arith.constant 0 : i32
    return %c0_i32, %c0_i32_0 : i32, i32
  }
  func.func @transform_11(%arg0: i32) -> (i32, i32) {
    %c0_i32 = arith.constant 0 : i32
    %c0_i32_0 = arith.constant 0 : i32
    return %arg0, %c0_i32 : i32, i32
  }
  func.func @transform_12(%arg0: i32) -> (i32, i32) {
    %c0_i32 = arith.constant 0 : i32
    %c0_i32_0 = arith.constant 0 : i32
    %c0_i32_1 = arith.constant 0 : i32
    return %c0_i32, %c0_i32_0 : i32, i32
  }
  func.func @transform_13(%arg0: i32) -> (i32, i32) {
    %c0_i32 = arith.constant 0 : i32
    %c0_i32_0 = arith.constant 0 : i32
    %c0_i32_1 = arith.constant 0 : i32
    return %c0_i32, %c0_i32_0 : i32, i32
  }
  func.func @transform_14(%arg0: i32) -> (i32, i32) {
    %c0_i32 = arith.constant 0 : i32
    %c0_i32_0 = arith.constant 0 : i32
    %c0_i32_1 = arith.constant 0 : i32
    return %c0_i32, %c0_i32_0 : i32, i32
  }
  func.func @transform_15(%arg0: i32) -> (i32, i32) {
    %c0_i32 = arith.constant 0 : i32
    %c0_i32_0 = arith.constant 0 : i32
    %c0_i32_1 = arith.constant 0 : i32
    return %c0_i32, %c0_i32_0 : i32, i32
  }
}

module attributes {stable_mosaic.version = 14 : i64} {
  func.func @_k_dis(%arg0: i32, %arg1: memref<32x1024xf32, #tpu.memory_space<vmem>>, %arg2: memref<1024x128xf32, #tpu.memory_space<vmem>>, %arg3: memref<1024x1xf32, #tpu.memory_space<vmem>>, %arg4: memref<1024x128xf32, #tpu.memory_space<vmem>>) attributes {dimension_semantics = [#tpu.dimension_semantics<arbitrary>], iteration_bounds = array<i64: 10>, scalar_prefetch = 0 : i64, scratch_operands = 0 : i64, tpu.core_type = #tpu.core_type<tc>, window_params = [{transform_indices = @transform_0, window_bounds = array<i64: 32, 1024>}, {transform_indices = @transform_1, window_bounds = array<i64: 1024, 128>}, {transform_indices = @transform_2, window_bounds = array<i64: 1024, 1>}, {transform_indices = @transform_3, window_bounds = array<i64: 1024, 128>}]} {
    %get3A = arith.constant 0 : index
    %get3A_0 = arith.constant 0 : index
    %get3A_1 = vector.load %arg1[%get3A, %get3A_0] : memref<32x1024xf32, #tpu.memory_space<vmem>>, vector<32x1024xf32>
    %reduce_sum3A = arith.constant dense<0.000000e+00> : vector<1024xf32>
    %reduce_sum3A_2 = vector.multi_reduction <add>, %get3A_1, %reduce_sum3A [0] : vector<32x1024xf32> to vector<1024xf32>
    %broadcast_in_dim3A = vector.shape_cast %reduce_sum3A_2 : vector<1024xf32> to vector<1x1024xf32>
    %add3A = arith.constant 1.000000e+00 : f32
    %add3A_3 = vector.broadcast %add3A : f32 to vector<1x1024xf32>
    %add3A_4 = arith.addf %broadcast_in_dim3A, %add3A_3 : vector<1x1024xf32>
    %rsqrt3A = math.rsqrt %add3A_4 : vector<1x1024xf32>
    %reshape3A = vector.shape_cast %rsqrt3A : vector<1x1024xf32> to vector<1024x1xf32>
    %swap3A = arith.constant 0 : index
    %swap3A_5 = arith.constant 0 : index
    %swap3A_6 = vector.load %arg3[%swap3A, %swap3A_5] : memref<1024x1xf32, #tpu.memory_space<vmem>>, vector<1024x1xf32>
    tpu.vector_store %arg3[%swap3A, %swap3A_5], %reshape3A {strides = array<i32>} : memref<1024x1xf32, #tpu.memory_space<vmem>>, vector<1024x1xf32>,
    %get3A_7 = arith.constant 0 : index
    %get3A_8 = arith.constant 0 : index
    %get3A_9 = vector.load %arg2[%get3A_7, %get3A_8] : memref<1024x128xf32, #tpu.memory_space<vmem>>, vector<1024x128xf32>
    %mul3A = vector.broadcast %reshape3A : vector<1024x1xf32> to vector<1024x128xf32>
    %mul3A_10 = arith.mulf %get3A_9, %mul3A : vector<1024x128xf32>
    %swap3A_11 = arith.constant 0 : index
    %swap3A_12 = arith.constant 0 : index
    %swap3A_13 = vector.load %arg4[%swap3A_11, %swap3A_12] : memref<1024x128xf32, #tpu.memory_space<vmem>>, vector<1024x128xf32>
    tpu.vector_store %arg4[%swap3A_11, %swap3A_12], %mul3A_10 {strides = array<i32>} : memref<1024x128xf32, #tpu.memory_space<vmem>>, vector<1024x128xf32>,
    return
  }
  func.func @transform_0(%arg0: i32) -> (i32, i32) {
    %c0_i32 = arith.constant 0 : i32
    %c0_i32_0 = arith.constant 0 : i32
    return %c0_i32, %arg0 : i32, i32
  }
  func.func @transform_1(%arg0: i32) -> (i32, i32) {
    %c0_i32 = arith.constant 0 : i32
    %c0_i32_0 = arith.constant 0 : i32
    return %arg0, %c0_i32 : i32, i32
  }
  func.func @transform_2(%arg0: i32) -> (i32, i32) {
    %c0_i32 = arith.constant 0 : i32
    %c0_i32_0 = arith.constant 0 : i32
    return %arg0, %c0_i32 : i32, i32
  }
  func.func @transform_3(%arg0: i32) -> (i32, i32) {
    %c0_i32 = arith.constant 0 : i32
    %c0_i32_0 = arith.constant 0 : i32
    return %arg0, %c0_i32 : i32, i32
  }
}

module attributes {stable_mosaic.version = 14 : i64} {
  func.func @_k_seg(%arg0: i32, %arg1: memref<1x1024x128xf32, #tpu.memory_space<vmem>>, %arg2: memref<1x1024x128xf32, #tpu.memory_space<vmem>>, %arg3: memref<1024x128xf32, #tpu.memory_space<vmem>>, %arg4: memref<1024x1xf32, #tpu.memory_space<vmem>>, %arg5: memref<128x128xf32, #tpu.memory_space<vmem>>, %arg6: memref<1x128xf32, #tpu.memory_space<vmem>>, %arg7: memref<128x300xf32, #tpu.memory_space<vmem>>, %arg8: memref<1x300xf32, #tpu.memory_space<vmem>>, %arg9: memref<1x1024x1xi32, #tpu.memory_space<vmem>>, %arg10: memref<64x300xf32, #tpu.memory_space<vmem>>, %arg11: memref<64x128x75xf32, #tpu.memory_space<vmem>>, %arg12: memref<64x300xf32, #tpu.memory_space<vmem>>, %arg13: memref<72x128x75xf32, #tpu.memory_space<vmem>>) attributes {dimension_semantics = [#tpu.dimension_semantics<arbitrary>], iteration_bounds = array<i64: 10>, scalar_prefetch = 0 : i64, scratch_operands = 2 : i64, tpu.core_type = #tpu.core_type<tc>, window_params = [{transform_indices = @transform_0, window_bounds = array<i64: 1, 1024, 128>}, {transform_indices = @transform_1, window_bounds = array<i64: 1, 1024, 128>}, {transform_indices = @transform_2, window_bounds = array<i64: 1024, 128>}, {transform_indices = @transform_3, window_bounds = array<i64: 1024, 1>}, {pipeline_mode = #tpu.pipeline_mode<synchronous>, transform_indices = @transform_4, window_bounds = array<i64: 128, 128>}, {pipeline_mode = #tpu.pipeline_mode<synchronous>, transform_indices = @transform_5, window_bounds = array<i64: 1, 128>}, {pipeline_mode = #tpu.pipeline_mode<synchronous>, transform_indices = @transform_6, window_bounds = array<i64: 128, 300>}, {pipeline_mode = #tpu.pipeline_mode<synchronous>, transform_indices = @transform_7, window_bounds = array<i64: 1, 300>}, {transform_indices = @transform_8, window_bounds = array<i64: 1, 1024, 1>}, {pipeline_mode = #tpu.pipeline_mode<synchronous>, transform_indices = @transform_9, window_bounds = array<i64: 64, 300>}, {pipeline_mode = #tpu.pipeline_mode<synchronous>, transform_indices = @transform_10, window_bounds = array<i64: 64, 128, 75>}]} {
    %get3A = arith.constant 0 : index
    %get3A_0 = arith.constant 0 : index
    %get3A_1 = vector.load %arg4[%get3A, %get3A_0] : memref<1024x1xf32, #tpu.memory_space<vmem>>, vector<1024x1xf32>
    %get3A_2 = arith.constant 0 : index
    %get3A_3 = arith.constant 0 : index
    %get3A_4 = arith.constant 0 : index
    %get3A_5 = vector.load %arg1[%get3A_2, %get3A_3, %get3A_4] : memref<1x1024x128xf32, #tpu.memory_space<vmem>>, vector<1x1024x128xf32>
    %get3A_6 = vector.shape_cast %get3A_5 : vector<1x1024x128xf32> to vector<1024x128xf32>
    %get3A_7 = arith.constant 0 : index
    %get3A_8 = arith.constant 0 : index
    %get3A_9 = arith.constant 0 : index
    %get3A_10 = vector.load %arg2[%get3A_7, %get3A_8, %get3A_9] : memref<1x1024x128xf32, #tpu.memory_space<vmem>>, vector<1x1024x128xf32>
    %get3A_11 = vector.shape_cast %get3A_10 : vector<1x1024x128xf32> to vector<1024x128xf32>
    %add3A = arith.addf %get3A_6, %get3A_11 : vector<1024x128xf32>
    %mul3A = vector.broadcast %get3A_1 : vector<1024x1xf32> to vector<1024x128xf32>
    %mul3A_12 = arith.mulf %mul3A, %add3A : vector<1024x128xf32>
    %get3A_13 = arith.constant 0 : index
    %get3A_14 = arith.constant 0 : index
    %get3A_15 = vector.load %arg3[%get3A_13, %get3A_14] : memref<1024x128xf32, #tpu.memory_space<vmem>>, vector<1024x128xf32>
    %mul3A_16 = arith.mulf %get3A_1, %get3A_1 : vector<1024x1xf32>
    %mul3A_17 = vector.broadcast %mul3A_16 : vector<1024x1xf32> to vector<1024x128xf32>
    %mul3A_18 = arith.mulf %get3A_15, %mul3A_17 : vector<1024x128xf32>
    %add3A_19 = arith.addf %mul3A_12, %mul3A_18 : vector<1024x128xf32>
    %get3A_20 = arith.constant 0 : index
    %get3A_21 = arith.constant 0 : index
    %get3A_22 = vector.load %arg7[%get3A_20, %get3A_21] : memref<128x300xf32, #tpu.memory_space<vmem>>, vector<128x300xf32>
    %dot_general3A = arith.constant dense<0.000000e+00> : vector<1024x300xf32>
    %dot_general3A_23 = tpu.matmul %add3A_19, %get3A_22, %dot_general3A {dimension_numbers = #tpu.dot_dimension_numbers<[1], [0], [0], [1], [0, 0, 1, 1], [], []>, transpose_lhs_hint = false} : vector<1024x128xf32>, vector<128x300xf32>, vector<1024x300xf32> -> vector<1024x300xf32>
    %get3A_24 = arith.constant 0 : index
    %get3A_25 = arith.constant 0 : index
    %get3A_26 = vector.load %arg8[%get3A_24, %get3A_25] : memref<1x300xf32, #tpu.memory_space<vmem>>, vector<1x300xf32>
    %add3A_27 = vector.broadcast %get3A_26 : vector<1x300xf32> to vector<1024x300xf32>
    %add3A_28 = arith.addf %dot_general3A_23, %add3A_27 : vector<1024x300xf32>
    %get3A_29 = arith.constant 0 : index
    %get3A_30 = arith.constant 0 : index
    %get3A_31 = arith.constant 0 : index
    %get3A_32 = vector.load %arg9[%get3A_29, %get3A_30, %get3A_31] : memref<1x1024x1xi32, #tpu.memory_space<vmem>>, vector<1x1024x1xi32>
    %get3A_33 = vector.shape_cast %get3A_32 : vector<1x1024x1xi32> to vector<1024x1xi32>
    %get3A_34 = arith.constant 0 : index
    %get3A_35 = arith.constant 0 : index
    %get3A_36 = arith.constant 0 : index
    %get3A_37 = vector.load %arg9[%get3A_34, %get3A_35, %get3A_36] : memref<1x1024x1xi32, #tpu.memory_space<vmem>>, vector<1x1x1xi32>
    %get3A_38 = vector.extract %get3A_37[0, 0, 0] : i32 from vector<1x1x1xi32>
    %get3A_39 = arith.constant 0 : index
    %get3A_40 = arith.constant 1023 : index
    %get3A_41 = arith.constant 0 : index
    %get3A_42 = vector.load %arg9[%get3A_39, %get3A_40, %get3A_41] : memref<1x1024x1xi32, #tpu.memory_space<vmem>>, vector<1x1x1xi32>
    %get3A_43 = vector.extract %get3A_42[0, 0, 0] : i32 from vector<1x1x1xi32>
    %eq3A = arith.constant 0 : i32
    %eq3A_44 = arith.cmpi eq, %arg0, %eq3A : i32
    %convert_element_type3A = arith.extui %eq3A_44 : i1 to i32
    %cond3A = arith.constant 0 : i32
    %cond3A_45 = arith.cmpi ne, %convert_element_type3A, %cond3A : i32
    scf.if %cond3A_45 {
      %broadcast_in_dim3A = arith.constant 0.000000e+00 : f32
      %broadcast_in_dim3A_89 = vector.broadcast %broadcast_in_dim3A : f32 to vector<64x300xf32>
      %swap3A_90 = arith.constant 0 : index
      %swap3A_91 = arith.constant 0 : index
      %swap3A_92 = vector.load %arg12[%swap3A_90, %swap3A_91] : memref<64x300xf32, #tpu.memory_space<vmem>>, vector<64x300xf32>
      tpu.vector_store %arg12[%swap3A_90, %swap3A_91], %broadcast_in_dim3A_89 {strides = array<i32>} : memref<64x300xf32, #tpu.memory_space<vmem>>, vector<64x300xf32>,
      %broadcast_in_dim3A_93 = arith.constant 0.000000e+00 : f32
      %broadcast_in_dim3A_94 = vector.broadcast %broadcast_in_dim3A_93 : f32 to vector<72x128x75xf32>
      %swap3A_95 = arith.constant 0 : index
      %swap3A_96 = arith.constant 0 : index
      %swap3A_97 = arith.constant 0 : index
      %swap3A_98 = vector.load %arg13[%swap3A_95, %swap3A_96, %swap3A_97] : memref<72x128x75xf32, #tpu.memory_space<vmem>>, vector<72x128x75xf32>
      tpu.vector_store %arg13[%swap3A_95, %swap3A_96, %swap3A_97], %broadcast_in_dim3A_94 {strides = array<i32>} : memref<72x128x75xf32, #tpu.memory_space<vmem>>, vector<72x128x75xf32>,
    } else {
    }
    %get3A_46 = arith.constant 0 : index
    %get3A_47 = arith.constant 0 : index
    %get3A_48 = vector.load %arg5[%get3A_46, %get3A_47] : memref<128x128xf32, #tpu.memory_space<vmem>>, vector<128x128xf32>
    %dot_general3A_49 = arith.constant dense<0.000000e+00> : vector<1024x128xf32>
    %dot_general3A_50 = tpu.matmul %add3A_19, %get3A_48, %dot_general3A_49 {dimension_numbers = #tpu.dot_dimension_numbers<[1], [0], [0], [1], [0, 0, 1, 1], [], []>, transpose_lhs_hint = false} : vector<1024x128xf32>, vector<128x128xf32>, vector<1024x128xf32> -> vector<1024x128xf32>
    %get3A_51 = arith.constant 0 : index
    %get3A_52 = arith.constant 0 : index
    %get3A_53 = vector.load %arg6[%get3A_51, %get3A_52] : memref<1x128xf32, #tpu.memory_space<vmem>>, vector<1x128xf32>
    %add3A_54 = vector.broadcast %get3A_53 : vector<1x128xf32> to vector<1024x128xf32>
    %add3A_55 = arith.addf %dot_general3A_50, %add3A_54 : vector<1024x128xf32>
    %iota3A = tpu.iota {dimensions = array<i32: 1>} : vector<1024x64xi32>
    %eq3A_56 = vector.broadcast %get3A_33 : vector<1024x1xi32> to vector<1024x64xi32>
    %eq3A_57 = arith.cmpi eq, %eq3A_56, %iota3A : vector<1024x64xi32>
    %convert_element_type3A_58 = arith.extui %eq3A_57 : vector<1024x64xi1> to vector<1024x64xi32>
    %convert_element_type3A_59 = arith.sitofp %convert_element_type3A_58 : vector<1024x64xi32> to vector<1024x64xf32>
    %exp3A = math.exp %add3A_28 : vector<1024x300xf32>
    %get3A_60 = arith.constant 0 : index
    %get3A_61 = arith.constant 0 : index
    %get3A_62 = vector.load %arg12[%get3A_60, %get3A_61] : memref<64x300xf32, #tpu.memory_space<vmem>>, vector<64x300xf32>
    %dot_general3A_63 = arith.constant dense<0.000000e+00> : vector<64x300xf32>
    %dot_general3A_64 = tpu.matmul %convert_element_type3A_59, %exp3A, %dot_general3A_63 {dimension_numbers = #tpu.dot_dimension_numbers<[0], [0], [1], [1], [0, 1, 1, 1], [], []>, transpose_lhs_hint = false} : vector<1024x64xf32>, vector<1024x300xf32>, vector<64x300xf32> -> vector<64x300xf32>
    %add3A_65 = arith.addf %get3A_62, %dot_general3A_64 : vector<64x300xf32>
    %swap3A = arith.constant 0 : index
    %swap3A_66 = arith.constant 0 : index
    %swap3A_67 = vector.load %arg12[%swap3A, %swap3A_66] : memref<64x300xf32, #tpu.memory_space<vmem>>, vector<64x300xf32>
    tpu.vector_store %arg12[%swap3A, %swap3A_66], %add3A_65 {strides = array<i32>} : memref<64x300xf32, #tpu.memory_space<vmem>>, vector<64x300xf32>,
    %slice3A = vector.extract_strided_slice %add3A_55 {offsets = [0, 0], sizes = [1024, 32], strides = [1, 1]} : vector<1024x128xf32> to vector<1024x32xf32>
    %transpose3A = tpu.transpose %slice3A, [1, 0] : vector<1024x32xf32> -> vector<32x1024xf32>
    %slice3A_68 = vector.extract_strided_slice %add3A_55 {offsets = [0, 32], sizes = [1024, 32], strides = [1, 1]} : vector<1024x128xf32> to vector<1024x32xf32>
    %transpose3A_69 = tpu.transpose %slice3A_68, [1, 0] : vector<1024x32xf32> -> vector<32x1024xf32>
    %slice3A_70 = vector.extract_strided_slice %add3A_55 {offsets = [0, 64], sizes = [1024, 32], strides = [1, 1]} : vector<1024x128xf32> to vector<1024x32xf32>
    %transpose3A_71 = tpu.transpose %slice3A_70, [1, 0] : vector<1024x32xf32> -> vector<32x1024xf32>
    %slice3A_72 = vector.extract_strided_slice %add3A_55 {offsets = [0, 96], sizes = [1024, 32], strides = [1, 1]} : vector<1024x128xf32> to vector<1024x32xf32>
    %transpose3A_73 = tpu.transpose %slice3A_72, [1, 0] : vector<1024x32xf32> -> vector<32x1024xf32>
    %add3A_74 = arith.constant 1 : i32
    %add3A_75 = arith.addi %get3A_43, %add3A_74 : i32
    %while3A = arith.constant 0 : i32
    %while3A_76 = arith.subi %add3A_75, %get3A_38 : i32
    %while3A_77 = arith.addi %get3A_38, %while3A_76 : i32
    %while3A_78 = arith.constant 1 : i32
    %while3A_79 = arith.divsi %while3A_76, %while3A_78 : i32
    %while3A_80 = arith.muli %while3A_79, %while3A_78 : i32
    %while3A_81 = arith.addi %get3A_38, %while3A_80 : i32
    %while3A_82 = arith.constant 1 : i32
    scf.for %while3A_89 = %get3A_38 to %while3A_81 step %while3A_82  : i32 {
      %eq3A_90 = vector.broadcast %while3A_89 : i32 to vector<1024x1xi32>
      %eq3A_91 = arith.cmpi eq, %get3A_33, %eq3A_90 : vector<1024x1xi32>
      %convert_element_type3A_92 = arith.extui %eq3A_91 : vector<1024x1xi1> to vector<1024x1xi32>
      %convert_element_type3A_93 = arith.sitofp %convert_element_type3A_92 : vector<1024x1xi32> to vector<1024x1xf32>
      %mul3A_94 = vector.broadcast %convert_element_type3A_93 : vector<1024x1xf32> to vector<1024x300xf32>
      %mul3A_95 = arith.mulf %exp3A, %mul3A_94 : vector<1024x300xf32>
      %slice3A_96 = vector.extract_strided_slice %mul3A_95 {offsets = [0, 0], sizes = [1024, 75], strides = [1, 1]} : vector<1024x300xf32> to vector<1024x75xf32>
      %dot_general3A_97 = arith.constant dense<0.000000e+00> : vector<32x75xf32>
      %dot_general3A_98 = tpu.matmul %transpose3A, %slice3A_96, %dot_general3A_97 {dimension_numbers = #tpu.dot_dimension_numbers<[1], [0], [0], [1], [0, 0, 1, 1], [], []>, transpose_lhs_hint = false} : vector<32x1024xf32>, vector<1024x75xf32>, vector<32x75xf32> -> vector<32x75xf32>
      %get3A_99 = arith.index_cast %while3A_89 : i32 to index
      %get3A_100 = arith.constant 0 : index
      %get3A_101 = arith.constant 0 : index
      %get3A_102 = vector.load %arg13[%get3A_99, %get3A_100, %get3A_101] : memref<72x128x75xf32, #tpu.memory_space<vmem>>, vector<1x32x75xf32>
      %broadcast_in_dim3A = vector.shape_cast %dot_general3A_98 : vector<32x75xf32> to vector<1x32x75xf32>
      %add3A_103 = arith.addf %get3A_102, %broadcast_in_dim3A : vector<1x32x75xf32>
      %swap3A_104 = arith.index_cast %while3A_89 : i32 to index
      %swap3A_105 = arith.constant 0 : index
      %swap3A_106 = arith.constant 0 : index
      %swap3A_107 = vector.load %arg13[%swap3A_104, %swap3A_105, %swap3A_106] : memref<72x128x75xf32, #tpu.memory_space<vmem>>, vector<1x32x75xf32>
      tpu.vector_store %arg13[%swap3A_104, %swap3A_105, %swap3A_106], %add3A_103 {strides = array<i32>} : memref<72x128x75xf32, #tpu.memory_space<vmem>>, vector<1x32x75xf32>,
      %slice3A_108 = vector.extract_strided_slice %mul3A_95 {offsets = [0, 75], sizes = [1024, 75], strides = [1, 1]} : vector<1024x300xf32> to vector<1024x75xf32>
      %dot_general3A_109 = arith.constant dense<0.000000e+00> : vector<32x75xf32>
      %dot_general3A_110 = tpu.matmul %transpose3A_69, %slice3A_108, %dot_general3A_109 {dimension_numbers = #tpu.dot_dimension_numbers<[1], [0], [0], [1], [0, 0, 1, 1], [], []>, transpose_lhs_hint = false} : vector<32x1024xf32>, vector<1024x75xf32>, vector<32x75xf32> -> vector<32x75xf32>
      %get3A_111 = arith.index_cast %while3A_89 : i32 to index
      %get3A_112 = arith.constant 32 : index
      %get3A_113 = arith.constant 0 : index
      %get3A_114 = vector.load %arg13[%get3A_111, %get3A_112, %get3A_113] : memref<72x128x75xf32, #tpu.memory_space<vmem>>, vector<1x32x75xf32>
      %broadcast_in_dim3A_115 = vector.shape_cast %dot_general3A_110 : vector<32x75xf32> to vector<1x32x75xf32>
      %add3A_116 = arith.addf %get3A_114, %broadcast_in_dim3A_115 : vector<1x32x75xf32>
      %swap3A_117 = arith.index_cast %while3A_89 : i32 to index
      %swap3A_118 = arith.constant 32 : index
      %swap3A_119 = arith.constant 0 : index
      %swap3A_120 = vector.load %arg13[%swap3A_117, %swap3A_118, %swap3A_119] : memref<72x128x75xf32, #tpu.memory_space<vmem>>, vector<1x32x75xf32>
      tpu.vector_store %arg13[%swap3A_117, %swap3A_118, %swap3A_119], %add3A_116 {strides = array<i32>} : memref<72x128x75xf32, #tpu.memory_space<vmem>>, vector<1x32x75xf32>,
      %slice3A_121 = vector.extract_strided_slice %mul3A_95 {offsets = [0, 150], sizes = [1024, 75], strides = [1, 1]} : vector<1024x300xf32> to vector<1024x75xf32>
      %dot_general3A_122 = arith.constant dense<0.000000e+00> : vector<32x75xf32>
      %dot_general3A_123 = tpu.matmul %transpose3A_71, %slice3A_121, %dot_general3A_122 {dimension_numbers = #tpu.dot_dimension_numbers<[1], [0], [0], [1], [0, 0, 1, 1], [], []>, transpose_lhs_hint = false} : vector<32x1024xf32>, vector<1024x75xf32>, vector<32x75xf32> -> vector<32x75xf32>
      %get3A_124 = arith.index_cast %while3A_89 : i32 to index
      %get3A_125 = arith.constant 64 : index
      %get3A_126 = arith.constant 0 : index
      %get3A_127 = vector.load %arg13[%get3A_124, %get3A_125, %get3A_126] : memref<72x128x75xf32, #tpu.memory_space<vmem>>, vector<1x32x75xf32>
      %broadcast_in_dim3A_128 = vector.shape_cast %dot_general3A_123 : vector<32x75xf32> to vector<1x32x75xf32>
      %add3A_129 = arith.addf %get3A_127, %broadcast_in_dim3A_128 : vector<1x32x75xf32>
      %swap3A_130 = arith.index_cast %while3A_89 : i32 to index
      %swap3A_131 = arith.constant 64 : index
      %swap3A_132 = arith.constant 0 : index
      %swap3A_133 = vector.load %arg13[%swap3A_130, %swap3A_131, %swap3A_132] : memref<72x128x75xf32, #tpu.memory_space<vmem>>, vector<1x32x75xf32>
      tpu.vector_store %arg13[%swap3A_130, %swap3A_131, %swap3A_132], %add3A_129 {strides = array<i32>} : memref<72x128x75xf32, #tpu.memory_space<vmem>>, vector<1x32x75xf32>,
      %slice3A_134 = vector.extract_strided_slice %mul3A_95 {offsets = [0, 225], sizes = [1024, 75], strides = [1, 1]} : vector<1024x300xf32> to vector<1024x75xf32>
      %dot_general3A_135 = arith.constant dense<0.000000e+00> : vector<32x75xf32>
      %dot_general3A_136 = tpu.matmul %transpose3A_73, %slice3A_134, %dot_general3A_135 {dimension_numbers = #tpu.dot_dimension_numbers<[1], [0], [0], [1], [0, 0, 1, 1], [], []>, transpose_lhs_hint = false} : vector<32x1024xf32>, vector<1024x75xf32>, vector<32x75xf32> -> vector<32x75xf32>
      %get3A_137 = arith.index_cast %while3A_89 : i32 to index
      %get3A_138 = arith.constant 96 : index
      %get3A_139 = arith.constant 0 : index
      %get3A_140 = vector.load %arg13[%get3A_137, %get3A_138, %get3A_139] : memref<72x128x75xf32, #tpu.memory_space<vmem>>, vector<1x32x75xf32>
      %broadcast_in_dim3A_141 = vector.shape_cast %dot_general3A_136 : vector<32x75xf32> to vector<1x32x75xf32>
      %add3A_142 = arith.addf %get3A_140, %broadcast_in_dim3A_141 : vector<1x32x75xf32>
      %swap3A_143 = arith.index_cast %while3A_89 : i32 to index
      %swap3A_144 = arith.constant 96 : index
      %swap3A_145 = arith.constant 0 : index
      %swap3A_146 = vector.load %arg13[%swap3A_143, %swap3A_144, %swap3A_145] : memref<72x128x75xf32, #tpu.memory_space<vmem>>, vector<1x32x75xf32>
      tpu.vector_store %arg13[%swap3A_143, %swap3A_144, %swap3A_145], %add3A_142 {strides = array<i32>} : memref<72x128x75xf32, #tpu.memory_space<vmem>>, vector<1x32x75xf32>,
    }
    %while3A_83 = arith.constant 1 : i32
    scf.for %while3A_89 = %while3A_81 to %while3A_77 step %while3A_83  : i32 {
      %eq3A_90 = vector.broadcast %while3A_89 : i32 to vector<1024x1xi32>
      %eq3A_91 = arith.cmpi eq, %get3A_33, %eq3A_90 : vector<1024x1xi32>
      %convert_element_type3A_92 = arith.extui %eq3A_91 : vector<1024x1xi1> to vector<1024x1xi32>
      %convert_element_type3A_93 = arith.sitofp %convert_element_type3A_92 : vector<1024x1xi32> to vector<1024x1xf32>
      %mul3A_94 = vector.broadcast %convert_element_type3A_93 : vector<1024x1xf32> to vector<1024x300xf32>
      %mul3A_95 = arith.mulf %exp3A, %mul3A_94 : vector<1024x300xf32>
      %slice3A_96 = vector.extract_strided_slice %mul3A_95 {offsets = [0, 0], sizes = [1024, 75], strides = [1, 1]} : vector<1024x300xf32> to vector<1024x75xf32>
      %dot_general3A_97 = arith.constant dense<0.000000e+00> : vector<32x75xf32>
      %dot_general3A_98 = tpu.matmul %transpose3A, %slice3A_96, %dot_general3A_97 {dimension_numbers = #tpu.dot_dimension_numbers<[1], [0], [0], [1], [0, 0, 1, 1], [], []>, transpose_lhs_hint = false} : vector<32x1024xf32>, vector<1024x75xf32>, vector<32x75xf32> -> vector<32x75xf32>
      %get3A_99 = arith.index_cast %while3A_89 : i32 to index
      %get3A_100 = arith.constant 0 : index
      %get3A_101 = arith.constant 0 : index
      %get3A_102 = vector.load %arg13[%get3A_99, %get3A_100, %get3A_101] : memref<72x128x75xf32, #tpu.memory_space<vmem>>, vector<1x32x75xf32>
      %broadcast_in_dim3A = vector.shape_cast %dot_general3A_98 : vector<32x75xf32> to vector<1x32x75xf32>
      %add3A_103 = arith.addf %get3A_102, %broadcast_in_dim3A : vector<1x32x75xf32>
      %swap3A_104 = arith.index_cast %while3A_89 : i32 to index
      %swap3A_105 = arith.constant 0 : index
      %swap3A_106 = arith.constant 0 : index
      %swap3A_107 = vector.load %arg13[%swap3A_104, %swap3A_105, %swap3A_106] : memref<72x128x75xf32, #tpu.memory_space<vmem>>, vector<1x32x75xf32>
      tpu.vector_store %arg13[%swap3A_104, %swap3A_105, %swap3A_106], %add3A_103 {strides = array<i32>} : memref<72x128x75xf32, #tpu.memory_space<vmem>>, vector<1x32x75xf32>,
      %slice3A_108 = vector.extract_strided_slice %mul3A_95 {offsets = [0, 75], sizes = [1024, 75], strides = [1, 1]} : vector<1024x300xf32> to vector<1024x75xf32>
      %dot_general3A_109 = arith.constant dense<0.000000e+00> : vector<32x75xf32>
      %dot_general3A_110 = tpu.matmul %transpose3A_69, %slice3A_108, %dot_general3A_109 {dimension_numbers = #tpu.dot_dimension_numbers<[1], [0], [0], [1], [0, 0, 1, 1], [], []>, transpose_lhs_hint = false} : vector<32x1024xf32>, vector<1024x75xf32>, vector<32x75xf32> -> vector<32x75xf32>
      %get3A_111 = arith.index_cast %while3A_89 : i32 to index
      %get3A_112 = arith.constant 32 : index
      %get3A_113 = arith.constant 0 : index
      %get3A_114 = vector.load %arg13[%get3A_111, %get3A_112, %get3A_113] : memref<72x128x75xf32, #tpu.memory_space<vmem>>, vector<1x32x75xf32>
      %broadcast_in_dim3A_115 = vector.shape_cast %dot_general3A_110 : vector<32x75xf32> to vector<1x32x75xf32>
      %add3A_116 = arith.addf %get3A_114, %broadcast_in_dim3A_115 : vector<1x32x75xf32>
      %swap3A_117 = arith.index_cast %while3A_89 : i32 to index
      %swap3A_118 = arith.constant 32 : index
      %swap3A_119 = arith.constant 0 : index
      %swap3A_120 = vector.load %arg13[%swap3A_117, %swap3A_118, %swap3A_119] : memref<72x128x75xf32, #tpu.memory_space<vmem>>, vector<1x32x75xf32>
      tpu.vector_store %arg13[%swap3A_117, %swap3A_118, %swap3A_119], %add3A_116 {strides = array<i32>} : memref<72x128x75xf32, #tpu.memory_space<vmem>>, vector<1x32x75xf32>,
      %slice3A_121 = vector.extract_strided_slice %mul3A_95 {offsets = [0, 150], sizes = [1024, 75], strides = [1, 1]} : vector<1024x300xf32> to vector<1024x75xf32>
      %dot_general3A_122 = arith.constant dense<0.000000e+00> : vector<32x75xf32>
      %dot_general3A_123 = tpu.matmul %transpose3A_71, %slice3A_121, %dot_general3A_122 {dimension_numbers = #tpu.dot_dimension_numbers<[1], [0], [0], [1], [0, 0, 1, 1], [], []>, transpose_lhs_hint = false} : vector<32x1024xf32>, vector<1024x75xf32>, vector<32x75xf32> -> vector<32x75xf32>
      %get3A_124 = arith.index_cast %while3A_89 : i32 to index
      %get3A_125 = arith.constant 64 : index
      %get3A_126 = arith.constant 0 : index
      %get3A_127 = vector.load %arg13[%get3A_124, %get3A_125, %get3A_126] : memref<72x128x75xf32, #tpu.memory_space<vmem>>, vector<1x32x75xf32>
      %broadcast_in_dim3A_128 = vector.shape_cast %dot_general3A_123 : vector<32x75xf32> to vector<1x32x75xf32>
      %add3A_129 = arith.addf %get3A_127, %broadcast_in_dim3A_128 : vector<1x32x75xf32>
      %swap3A_130 = arith.index_cast %while3A_89 : i32 to index
      %swap3A_131 = arith.constant 64 : index
      %swap3A_132 = arith.constant 0 : index
      %swap3A_133 = vector.load %arg13[%swap3A_130, %swap3A_131, %swap3A_132] : memref<72x128x75xf32, #tpu.memory_space<vmem>>, vector<1x32x75xf32>
      tpu.vector_store %arg13[%swap3A_130, %swap3A_131, %swap3A_132], %add3A_129 {strides = array<i32>} : memref<72x128x75xf32, #tpu.memory_space<vmem>>, vector<1x32x75xf32>,
      %slice3A_134 = vector.extract_strided_slice %mul3A_95 {offsets = [0, 225], sizes = [1024, 75], strides = [1, 1]} : vector<1024x300xf32> to vector<1024x75xf32>
      %dot_general3A_135 = arith.constant dense<0.000000e+00> : vector<32x75xf32>
      %dot_general3A_136 = tpu.matmul %transpose3A_73, %slice3A_134, %dot_general3A_135 {dimension_numbers = #tpu.dot_dimension_numbers<[1], [0], [0], [1], [0, 0, 1, 1], [], []>, transpose_lhs_hint = false} : vector<32x1024xf32>, vector<1024x75xf32>, vector<32x75xf32> -> vector<32x75xf32>
      %get3A_137 = arith.index_cast %while3A_89 : i32 to index
      %get3A_138 = arith.constant 96 : index
      %get3A_139 = arith.constant 0 : index
      %get3A_140 = vector.load %arg13[%get3A_137, %get3A_138, %get3A_139] : memref<72x128x75xf32, #tpu.memory_space<vmem>>, vector<1x32x75xf32>
      %broadcast_in_dim3A_141 = vector.shape_cast %dot_general3A_136 : vector<32x75xf32> to vector<1x32x75xf32>
      %add3A_142 = arith.addf %get3A_140, %broadcast_in_dim3A_141 : vector<1x32x75xf32>
      %swap3A_143 = arith.index_cast %while3A_89 : i32 to index
      %swap3A_144 = arith.constant 96 : index
      %swap3A_145 = arith.constant 0 : index
      %swap3A_146 = vector.load %arg13[%swap3A_143, %swap3A_144, %swap3A_145] : memref<72x128x75xf32, #tpu.memory_space<vmem>>, vector<1x32x75xf32>
      tpu.vector_store %arg13[%swap3A_143, %swap3A_144, %swap3A_145], %add3A_142 {strides = array<i32>} : memref<72x128x75xf32, #tpu.memory_space<vmem>>, vector<1x32x75xf32>,
    }
    %eq3A_84 = arith.constant 9 : i32
    %eq3A_85 = arith.cmpi eq, %arg0, %eq3A_84 : i32
    %convert_element_type3A_86 = arith.extui %eq3A_85 : i1 to i32
    %cond3A_87 = arith.constant 0 : i32
    %cond3A_88 = arith.cmpi ne, %convert_element_type3A_86, %cond3A_87 : i32
    scf.if %cond3A_88 {
      %get3A_89 = arith.constant 0 : index
      %get3A_90 = arith.constant 0 : index
      %get3A_91 = vector.load %arg12[%get3A_89, %get3A_90] : memref<64x300xf32, #tpu.memory_space<vmem>>, vector<64x300xf32>
      %eq3A_92 = arith.constant 0.000000e+00 : f32
      %eq3A_93 = vector.broadcast %eq3A_92 : f32 to vector<64x300xf32>
      %eq3A_94 = arith.cmpf oeq, %get3A_91, %eq3A_93 : vector<64x300xf32>
      %jit3A = arith.constant 1.000000e+00 : f32
      %broadcast_in_dim3A = vector.broadcast %jit3A : f32 to vector<64x300xf32>
      %select_n3A = arith.select %eq3A_94, %broadcast_in_dim3A, %get3A_91 : vector<64x300xi1>, vector<64x300xf32>
      %swap3A_95 = arith.constant 0 : index
      %swap3A_96 = arith.constant 0 : index
      %swap3A_97 = vector.load %arg10[%swap3A_95, %swap3A_96] : memref<64x300xf32, #tpu.memory_space<vmem>>, vector<64x300xf32>
      tpu.vector_store %arg10[%swap3A_95, %swap3A_96], %select_n3A {strides = array<i32>} : memref<64x300xf32, #tpu.memory_space<vmem>>, vector<64x300xf32>,
      %get3A_98 = arith.constant 0 : index
      %get3A_99 = arith.constant 0 : index
      %get3A_100 = arith.constant 0 : index
      %get3A_101 = vector.load %arg13[%get3A_98, %get3A_99, %get3A_100] : memref<72x128x75xf32, #tpu.memory_space<vmem>>, vector<64x128x75xf32>
      %swap3A_102 = arith.constant 0 : index
      %swap3A_103 = arith.constant 0 : index
      %swap3A_104 = arith.constant 0 : index
      %swap3A_105 = vector.load %arg11[%swap3A_102, %swap3A_103, %swap3A_104] : memref<64x128x75xf32, #tpu.memory_space<vmem>>, vector<64x128x75xf32>
      tpu.vector_store %arg11[%swap3A_102, %swap3A_103, %swap3A_104], %get3A_101 {strides = array<i32>} : memref<64x128x75xf32, #tpu.memory_space<vmem>>, vector<64x128x75xf32>,
    } else {
    }
    return
  }
  func.func @transform_0(%arg0: i32) -> (i32, i32, i32) {
    %c0_i32 = arith.constant 0 : i32
    %c0_i32_0 = arith.constant 0 : i32
    %c0_i32_1 = arith.constant 0 : i32
    return %c0_i32, %arg0, %c0_i32_0 : i32, i32, i32
  }
  func.func @transform_1(%arg0: i32) -> (i32, i32, i32) {
    %c1_i32 = arith.constant 1 : i32
    %c0_i32 = arith.constant 0 : i32
    %c0_i32_0 = arith.constant 0 : i32
    return %c1_i32, %arg0, %c0_i32 : i32, i32, i32
  }
  func.func @transform_2(%arg0: i32) -> (i32, i32) {
    %c0_i32 = arith.constant 0 : i32
    %c0_i32_0 = arith.constant 0 : i32
    return %arg0, %c0_i32 : i32, i32
  }
  func.func @transform_3(%arg0: i32) -> (i32, i32) {
    %c0_i32 = arith.constant 0 : i32
    %c0_i32_0 = arith.constant 0 : i32
    return %arg0, %c0_i32 : i32, i32
  }
  func.func @transform_4(%arg0: i32) -> (i32, i32) {
    %c0_i32 = arith.constant 0 : i32
    %c0_i32_0 = arith.constant 0 : i32
    %c0_i32_1 = arith.constant 0 : i32
    return %c0_i32, %c0_i32_0 : i32, i32
  }
  func.func @transform_5(%arg0: i32) -> (i32, i32) {
    %c0_i32 = arith.constant 0 : i32
    %c0_i32_0 = arith.constant 0 : i32
    %c0_i32_1 = arith.constant 0 : i32
    return %c0_i32, %c0_i32_0 : i32, i32
  }
  func.func @transform_6(%arg0: i32) -> (i32, i32) {
    %c0_i32 = arith.constant 0 : i32
    %c0_i32_0 = arith.constant 0 : i32
    %c0_i32_1 = arith.constant 0 : i32
    return %c0_i32, %c0_i32_0 : i32, i32
  }
  func.func @transform_7(%arg0: i32) -> (i32, i32) {
    %c0_i32 = arith.constant 0 : i32
    %c0_i32_0 = arith.constant 0 : i32
    %c0_i32_1 = arith.constant 0 : i32
    return %c0_i32, %c0_i32_0 : i32, i32
  }
  func.func @transform_8(%arg0: i32) -> (i32, i32, i32) {
    %c0_i32 = arith.constant 0 : i32
    %c0_i32_0 = arith.constant 0 : i32
    %c0_i32_1 = arith.constant 0 : i32
    return %arg0, %c0_i32, %c0_i32_0 : i32, i32, i32
  }
  func.func @transform_9(%arg0: i32) -> (i32, i32) {
    %c0_i32 = arith.constant 0 : i32
    %c0_i32_0 = arith.constant 0 : i32
    %c0_i32_1 = arith.constant 0 : i32
    return %c0_i32, %c0_i32_0 : i32, i32
  }
  func.func @transform_10(%arg0: i32) -> (i32, i32, i32) {
    %c0_i32 = arith.constant 0 : i32
    %c0_i32_0 = arith.constant 0 : i32
    %c0_i32_1 = arith.constant 0 : i32
    %c0_i32_2 = arith.constant 0 : i32
    return %c0_i32, %c0_i32_0, %c0_i32_1 : i32, i32, i32
  }
}

module attributes {stable_mosaic.version = 14 : i64} {
  func.func @_k_tail(%arg0: memref<64x128x75xf32, #tpu.memory_space<vmem>>, %arg1: memref<64x4x75xf32, #tpu.memory_space<vmem>>, %arg2: memref<75x128xf32, #tpu.memory_space<vmem>>, %arg3: memref<1x128xf32, #tpu.memory_space<vmem>>, %arg4: memref<128x128xf32, #tpu.memory_space<vmem>>, %arg5: memref<1x128xf32, #tpu.memory_space<vmem>>, %arg6: memref<1x128xf32, #tpu.memory_space<vmem>>, %arg7: memref<1x128xf32, #tpu.memory_space<vmem>>, %arg8: memref<1x128xf32, #tpu.memory_space<vmem>>, %arg9: memref<1x128xf32, #tpu.memory_space<vmem>>, %arg10: memref<128x128xf32, #tpu.memory_space<vmem>>, %arg11: memref<1x128xf32, #tpu.memory_space<vmem>>, %arg12: memref<128x128xf32, #tpu.memory_space<vmem>>, %arg13: memref<1x128xf32, #tpu.memory_space<vmem>>, %arg14: memref<128x128xf32, #tpu.memory_space<vmem>>, %arg15: memref<1x128xf32, #tpu.memory_space<vmem>>, %arg16: memref<128x128xf32, #tpu.memory_space<vmem>>, %arg17: memref<1x128xf32, #tpu.memory_space<vmem>>, %arg18: memref<1x128xf32, #tpu.memory_space<vmem>>, %arg19: memref<1x128xf32, #tpu.memory_space<vmem>>, %arg20: memref<1x128xf32, #tpu.memory_space<vmem>>, %arg21: memref<1x128xf32, #tpu.memory_space<vmem>>, %arg22: memref<128x128xf32, #tpu.memory_space<vmem>>, %arg23: memref<1x128xf32, #tpu.memory_space<vmem>>, %arg24: memref<128x128xf32, #tpu.memory_space<vmem>>, %arg25: memref<1x128xf32, #tpu.memory_space<vmem>>, %arg26: memref<128x128xf32, #tpu.memory_space<vmem>>, %arg27: memref<1x128xf32, #tpu.memory_space<vmem>>, %arg28: memref<1x128xf32, #tpu.memory_space<vmem>>, %arg29: memref<1x128xf32, #tpu.memory_space<vmem>>, %arg30: memref<1x128xf32, #tpu.memory_space<vmem>>, %arg31: memref<1x128xf32, #tpu.memory_space<vmem>>, %arg32: memref<128x8xf32, #tpu.memory_space<vmem>>, %arg33: memref<1x8xf32, #tpu.memory_space<vmem>>, %arg34: memref<64x8xf32, #tpu.memory_space<vmem>>, %arg35: memref<4800x128xf32, #tpu.memory_space<vmem>>, %arg36: memref<4800x128xf32, #tpu.memory_space<vmem>>, %arg37: memref<4800x128xf32, #tpu.memory_space<vmem>>) attributes {dimension_semantics = [], scalar_prefetch = 0 : i64, scratch_operands = 3 : i64, tpu.core_type = #tpu.core_type<tc>} {
    %get3A = arith.constant 0 : index
    %get3A_0 = arith.constant 0 : index
    %get3A_1 = arith.constant 0 : index
    %get3A_2 = vector.load %arg0[%get3A, %get3A_0, %get3A_1] : memref<64x128x75xf32, #tpu.memory_space<vmem>>, vector<64x128x75xf32>
    %get3A_3 = arith.constant 0 : index
    %get3A_4 = arith.constant 0 : index
    %get3A_5 = arith.constant 0 : index
    %get3A_6 = vector.load %arg1[%get3A_3, %get3A_4, %get3A_5] : memref<64x4x75xf32, #tpu.memory_space<vmem>>, vector<64x4x75xf32>
    %broadcast_in_dim3A = vector.shape_cast %get3A_6 : vector<64x4x75xf32> to vector<64x4x1x75xf32>
    %broadcast_in_dim3A_7 = vector.broadcast %broadcast_in_dim3A : vector<64x4x1x75xf32> to vector<64x4x32x75xf32>
    %reshape3A = vector.shape_cast %broadcast_in_dim3A_7 : vector<64x4x32x75xf32> to vector<64x128x75xf32>
    %div3A = arith.divf %get3A_2, %reshape3A : vector<64x128x75xf32>
    %transpose3A = tpu.transpose %div3A, [0, 2, 1] : vector<64x128x75xf32> -> vector<64x75x128xf32>
    %get3A_8 = arith.constant 0 : index
    %get3A_9 = arith.constant 0 : index
    %get3A_10 = vector.load %arg2[%get3A_8, %get3A_9] : memref<75x128xf32, #tpu.memory_space<vmem>>, vector<75x128xf32>
    %broadcast_in_dim3A_11 = vector.shape_cast %get3A_10 : vector<75x128xf32> to vector<1x75x128xf32>
    %add3A = vector.broadcast %broadcast_in_dim3A_11 : vector<1x75x128xf32> to vector<64x75x128xf32>
    %add3A_12 = arith.addf %add3A, %transpose3A : vector<64x75x128xf32>
    %reshape3A_13 = vector.shape_cast %add3A_12 : vector<64x75x128xf32> to vector<4800x128xf32>
    %get3A_14 = arith.constant 0 : index
    %get3A_15 = arith.constant 0 : index
    %get3A_16 = vector.load %arg6[%get3A_14, %get3A_15] : memref<1x128xf32, #tpu.memory_space<vmem>>, vector<1x128xf32>
    %get3A_17 = arith.constant 0 : index
    %get3A_18 = arith.constant 0 : index
    %get3A_19 = vector.load %arg7[%get3A_17, %get3A_18] : memref<1x128xf32, #tpu.memory_space<vmem>>, vector<1x128xf32>
    %reduce_sum3A = arith.constant dense<0.000000e+00> : vector<4800xf32>
    %reduce_sum3A_20 = vector.multi_reduction <add>, %reshape3A_13, %reduce_sum3A [1] : vector<4800x128xf32> to vector<4800xf32>
    %broadcast_in_dim3A_21 = vector.shape_cast %reduce_sum3A_20 : vector<4800xf32> to vector<4800x1xf32>
    %div3A_22 = arith.constant 1.280000e+02 : f32
    %div3A_23 = vector.broadcast %div3A_22 : f32 to vector<4800x1xf32>
    %div3A_24 = arith.divf %broadcast_in_dim3A_21, %div3A_23 : vector<4800x1xf32>
    %sub3A = vector.broadcast %div3A_24 : vector<4800x1xf32> to vector<4800x128xf32>
    %sub3A_25 = arith.subf %reshape3A_13, %sub3A : vector<4800x128xf32>
    %integer_pow3A = arith.mulf %sub3A_25, %sub3A_25 : vector<4800x128xf32>
    %reduce_sum3A_26 = arith.constant dense<0.000000e+00> : vector<4800xf32>
    %reduce_sum3A_27 = vector.multi_reduction <add>, %integer_pow3A, %reduce_sum3A_26 [1] : vector<4800x128xf32> to vector<4800xf32>
    %broadcast_in_dim3A_28 = vector.shape_cast %reduce_sum3A_27 : vector<4800xf32> to vector<4800x1xf32>
    %div3A_29 = arith.constant 1.280000e+02 : f32
    %div3A_30 = vector.broadcast %div3A_29 : f32 to vector<4800x1xf32>
    %div3A_31 = arith.divf %broadcast_in_dim3A_28, %div3A_30 : vector<4800x1xf32>
    %sub3A_32 = vector.broadcast %div3A_24 : vector<4800x1xf32> to vector<4800x128xf32>
    %sub3A_33 = arith.subf %reshape3A_13, %sub3A_32 : vector<4800x128xf32>
    %add3A_34 = arith.constant 9.99999974E-6 : f32
    %add3A_35 = vector.broadcast %add3A_34 : f32 to vector<4800x1xf32>
    %add3A_36 = arith.addf %div3A_31, %add3A_35 : vector<4800x1xf32>
    %sqrt3A = math.sqrt %add3A_36 : vector<4800x1xf32>
    %div3A_37 = vector.broadcast %sqrt3A : vector<4800x1xf32> to vector<4800x128xf32>
    %div3A_38 = arith.divf %sub3A_33, %div3A_37 : vector<4800x128xf32>
    %mul3A = vector.broadcast %get3A_16 : vector<1x128xf32> to vector<4800x128xf32>
    %mul3A_39 = arith.mulf %div3A_38, %mul3A : vector<4800x128xf32>
    %add3A_40 = vector.broadcast %get3A_19 : vector<1x128xf32> to vector<4800x128xf32>
    %add3A_41 = arith.addf %mul3A_39, %add3A_40 : vector<4800x128xf32>
    %get3A_42 = arith.constant 0 : index
    %get3A_43 = arith.constant 0 : index
    %get3A_44 = vector.load %arg4[%get3A_42, %get3A_43] : memref<128x128xf32, #tpu.memory_space<vmem>>, vector<128x128xf32>
    %dot_general3A = arith.constant dense<0.000000e+00> : vector<4800x128xf32>
    %dot_general3A_45 = tpu.matmul %add3A_41, %get3A_44, %dot_general3A {dimension_numbers = #tpu.dot_dimension_numbers<[1], [0], [0], [1], [0, 0, 1, 1], [], []>, transpose_lhs_hint = false} : vector<4800x128xf32>, vector<128x128xf32>, vector<4800x128xf32> -> vector<4800x128xf32>
    %get3A_46 = arith.constant 0 : index
    %get3A_47 = arith.constant 0 : index
    %get3A_48 = vector.load %arg5[%get3A_46, %get3A_47] : memref<1x128xf32, #tpu.memory_space<vmem>>, vector<1x128xf32>
    %add3A_49 = vector.broadcast %get3A_48 : vector<1x128xf32> to vector<4800x128xf32>
    %add3A_50 = arith.addf %dot_general3A_45, %add3A_49 : vector<4800x128xf32>
    %max3A = arith.constant 0.000000e+00 : f32
    %max3A_51 = vector.broadcast %max3A : f32 to vector<4800x128xf32>
    %max3A_52 = arith.maximumf %add3A_50, %max3A_51 : vector<4800x128xf32>
    %add3A_53 = arith.addf %add3A_41, %max3A_52 : vector<4800x128xf32>
    %get3A_54 = arith.constant 0 : index
    %get3A_55 = arith.constant 0 : index
    %get3A_56 = vector.load %arg8[%get3A_54, %get3A_55] : memref<1x128xf32, #tpu.memory_space<vmem>>, vector<1x128xf32>
    %get3A_57 = arith.constant 0 : index
    %get3A_58 = arith.constant 0 : index
    %get3A_59 = vector.load %arg9[%get3A_57, %get3A_58] : memref<1x128xf32, #tpu.memory_space<vmem>>, vector<1x128xf32>
    %reduce_sum3A_60 = arith.constant dense<0.000000e+00> : vector<4800xf32>
    %reduce_sum3A_61 = vector.multi_reduction <add>, %add3A_53, %reduce_sum3A_60 [1] : vector<4800x128xf32> to vector<4800xf32>
    %broadcast_in_dim3A_62 = vector.shape_cast %reduce_sum3A_61 : vector<4800xf32> to vector<4800x1xf32>
    %div3A_63 = arith.constant 1.280000e+02 : f32
    %div3A_64 = vector.broadcast %div3A_63 : f32 to vector<4800x1xf32>
    %div3A_65 = arith.divf %broadcast_in_dim3A_62, %div3A_64 : vector<4800x1xf32>
    %sub3A_66 = vector.broadcast %div3A_65 : vector<4800x1xf32> to vector<4800x128xf32>
    %sub3A_67 = arith.subf %add3A_53, %sub3A_66 : vector<4800x128xf32>
    %integer_pow3A_68 = arith.mulf %sub3A_67, %sub3A_67 : vector<4800x128xf32>
    %reduce_sum3A_69 = arith.constant dense<0.000000e+00> : vector<4800xf32>
    %reduce_sum3A_70 = vector.multi_reduction <add>, %integer_pow3A_68, %reduce_sum3A_69 [1] : vector<4800x128xf32> to vector<4800xf32>
    %broadcast_in_dim3A_71 = vector.shape_cast %reduce_sum3A_70 : vector<4800xf32> to vector<4800x1xf32>
    %div3A_72 = arith.constant 1.280000e+02 : f32
    %div3A_73 = vector.broadcast %div3A_72 : f32 to vector<4800x1xf32>
    %div3A_74 = arith.divf %broadcast_in_dim3A_71, %div3A_73 : vector<4800x1xf32>
    %sub3A_75 = vector.broadcast %div3A_65 : vector<4800x1xf32> to vector<4800x128xf32>
    %sub3A_76 = arith.subf %add3A_53, %sub3A_75 : vector<4800x128xf32>
    %add3A_77 = arith.constant 9.99999974E-6 : f32
    %add3A_78 = vector.broadcast %add3A_77 : f32 to vector<4800x1xf32>
    %add3A_79 = arith.addf %div3A_74, %add3A_78 : vector<4800x1xf32>
    %sqrt3A_80 = math.sqrt %add3A_79 : vector<4800x1xf32>
    %div3A_81 = vector.broadcast %sqrt3A_80 : vector<4800x1xf32> to vector<4800x128xf32>
    %div3A_82 = arith.divf %sub3A_76, %div3A_81 : vector<4800x128xf32>
    %mul3A_83 = vector.broadcast %get3A_56 : vector<1x128xf32> to vector<4800x128xf32>
    %mul3A_84 = arith.mulf %div3A_82, %mul3A_83 : vector<4800x128xf32>
    %add3A_85 = vector.broadcast %get3A_59 : vector<1x128xf32> to vector<4800x128xf32>
    %add3A_86 = arith.addf %mul3A_84, %add3A_85 : vector<4800x128xf32>
    %get3A_87 = arith.constant 0 : index
    %get3A_88 = arith.constant 0 : index
    %get3A_89 = vector.load %arg10[%get3A_87, %get3A_88] : memref<128x128xf32, #tpu.memory_space<vmem>>, vector<128x128xf32>
    %dot_general3A_90 = arith.constant dense<0.000000e+00> : vector<4800x128xf32>
    %dot_general3A_91 = tpu.matmul %add3A_86, %get3A_89, %dot_general3A_90 {dimension_numbers = #tpu.dot_dimension_numbers<[1], [0], [0], [1], [0, 0, 1, 1], [], []>, transpose_lhs_hint = false} : vector<4800x128xf32>, vector<128x128xf32>, vector<4800x128xf32> -> vector<4800x128xf32>
    %get3A_92 = arith.constant 0 : index
    %get3A_93 = arith.constant 0 : index
    %get3A_94 = vector.load %arg11[%get3A_92, %get3A_93] : memref<1x128xf32, #tpu.memory_space<vmem>>, vector<1x128xf32>
    %add3A_95 = vector.broadcast %get3A_94 : vector<1x128xf32> to vector<4800x128xf32>
    %add3A_96 = arith.addf %dot_general3A_91, %add3A_95 : vector<4800x128xf32>
    %swap3A = arith.constant 0 : index
    %swap3A_97 = arith.constant 0 : index
    %swap3A_98 = vector.load %arg35[%swap3A, %swap3A_97] : memref<4800x128xf32, #tpu.memory_space<vmem>>, vector<4800x128xf32>
    tpu.vector_store %arg35[%swap3A, %swap3A_97], %add3A_96 {strides = array<i32>} : memref<4800x128xf32, #tpu.memory_space<vmem>>, vector<4800x128xf32>,
    %get3A_99 = arith.constant 0 : index
    %get3A_100 = arith.constant 0 : index
    %get3A_101 = vector.load %arg12[%get3A_99, %get3A_100] : memref<128x128xf32, #tpu.memory_space<vmem>>, vector<128x128xf32>
    %dot_general3A_102 = arith.constant dense<0.000000e+00> : vector<4800x128xf32>
    %dot_general3A_103 = tpu.matmul %add3A_86, %get3A_101, %dot_general3A_102 {dimension_numbers = #tpu.dot_dimension_numbers<[1], [0], [0], [1], [0, 0, 1, 1], [], []>, transpose_lhs_hint = false} : vector<4800x128xf32>, vector<128x128xf32>, vector<4800x128xf32> -> vector<4800x128xf32>
    %get3A_104 = arith.constant 0 : index
    %get3A_105 = arith.constant 0 : index
    %get3A_106 = vector.load %arg13[%get3A_104, %get3A_105] : memref<1x128xf32, #tpu.memory_space<vmem>>, vector<1x128xf32>
    %add3A_107 = vector.broadcast %get3A_106 : vector<1x128xf32> to vector<4800x128xf32>
    %add3A_108 = arith.addf %dot_general3A_103, %add3A_107 : vector<4800x128xf32>
    %swap3A_109 = arith.constant 0 : index
    %swap3A_110 = arith.constant 0 : index
    %swap3A_111 = vector.load %arg36[%swap3A_109, %swap3A_110] : memref<4800x128xf32, #tpu.memory_space<vmem>>, vector<4800x128xf32>
    tpu.vector_store %arg36[%swap3A_109, %swap3A_110], %add3A_108 {strides = array<i32>} : memref<4800x128xf32, #tpu.memory_space<vmem>>, vector<4800x128xf32>,
    %get3A_112 = arith.constant 0 : index
    %get3A_113 = arith.constant 0 : index
    %get3A_114 = vector.load %arg14[%get3A_112, %get3A_113] : memref<128x128xf32, #tpu.memory_space<vmem>>, vector<128x128xf32>
    %dot_general3A_115 = arith.constant dense<0.000000e+00> : vector<4800x128xf32>
    %dot_general3A_116 = tpu.matmul %add3A_86, %get3A_114, %dot_general3A_115 {dimension_numbers = #tpu.dot_dimension_numbers<[1], [0], [0], [1], [0, 0, 1, 1], [], []>, transpose_lhs_hint = false} : vector<4800x128xf32>, vector<128x128xf32>, vector<4800x128xf32> -> vector<4800x128xf32>
    %get3A_117 = arith.constant 0 : index
    %get3A_118 = arith.constant 0 : index
    %get3A_119 = vector.load %arg15[%get3A_117, %get3A_118] : memref<1x128xf32, #tpu.memory_space<vmem>>, vector<1x128xf32>
    %add3A_120 = vector.broadcast %get3A_119 : vector<1x128xf32> to vector<4800x128xf32>
    %add3A_121 = arith.addf %dot_general3A_116, %add3A_120 : vector<4800x128xf32>
    %swap3A_122 = arith.constant 0 : index
    %swap3A_123 = arith.constant 0 : index
    %swap3A_124 = vector.load %arg37[%swap3A_122, %swap3A_123] : memref<4800x128xf32, #tpu.memory_space<vmem>>, vector<4800x128xf32>
    tpu.vector_store %arg37[%swap3A_122, %swap3A_123], %add3A_121 {strides = array<i32>} : memref<4800x128xf32, #tpu.memory_space<vmem>>, vector<4800x128xf32>,
    %scan3A = arith.constant 0 : i32
    %scan3A_125 = arith.constant 64 : i32
    %scan3A_126 = arith.addi %scan3A, %scan3A_125 : i32
    %scan3A_127 = arith.constant 1 : i32
    scf.for %scan3A_129 = %scan3A to %scan3A_126 step %scan3A_127  : i32 {
      %mul3A_130 = arith.constant 75 : i32
      %mul3A_131 = arith.muli %scan3A_129, %mul3A_130 : i32
      %get3A_132 = arith.index_cast %mul3A_131 : i32 to index
      %get3A_133 = arith.constant 0 : index
      %get3A_134 = vector.load %arg35[%get3A_132, %get3A_133] : memref<4800x128xf32, #tpu.memory_space<vmem>>, vector<75x128xf32>
      %get3A_135 = arith.index_cast %mul3A_131 : i32 to index
      %get3A_136 = arith.constant 0 : index
      %get3A_137 = vector.load %arg36[%get3A_135, %get3A_136] : memref<4800x128xf32, #tpu.memory_space<vmem>>, vector<75x128xf32>
      %get3A_138 = arith.index_cast %mul3A_131 : i32 to index
      %get3A_139 = arith.constant 0 : index
      %get3A_140 = vector.load %arg37[%get3A_138, %get3A_139] : memref<4800x128xf32, #tpu.memory_space<vmem>>, vector<75x128xf32>
      %get3A_141 = arith.constant 0 : index
      %get3A_142 = arith.constant 0 : index
      %get3A_143 = vector.load %arg16[%get3A_141, %get3A_142] : memref<128x128xf32, #tpu.memory_space<vmem>>, vector<128x128xf32>
      %get3A_144 = arith.constant 0 : index
      %get3A_145 = arith.constant 0 : index
      %get3A_146 = vector.load %arg17[%get3A_144, %get3A_145] : memref<1x128xf32, #tpu.memory_space<vmem>>, vector<1x128xf32>
      %get3A_147 = arith.constant 0 : index
      %get3A_148 = arith.constant 0 : index
      %get3A_149 = vector.load %arg18[%get3A_147, %get3A_148] : memref<1x128xf32, #tpu.memory_space<vmem>>, vector<1x128xf32>
      %get3A_150 = arith.constant 0 : index
      %get3A_151 = arith.constant 0 : index
      %get3A_152 = vector.load %arg19[%get3A_150, %get3A_151] : memref<1x128xf32, #tpu.memory_space<vmem>>, vector<1x128xf32>
      %get3A_153 = arith.constant 0 : index
      %get3A_154 = arith.constant 0 : index
      %get3A_155 = vector.load %arg20[%get3A_153, %get3A_154] : memref<1x128xf32, #tpu.memory_space<vmem>>, vector<1x128xf32>
      %get3A_156 = arith.constant 0 : index
      %get3A_157 = arith.constant 0 : index
      %get3A_158 = vector.load %arg21[%get3A_156, %get3A_157] : memref<1x128xf32, #tpu.memory_space<vmem>>, vector<1x128xf32>
      %slice3A = vector.extract_strided_slice %get3A_134 {offsets = [0, 0], sizes = [75, 32], strides = [1, 1]} : vector<75x128xf32> to vector<75x32xf32>
      %slice3A_159 = vector.extract_strided_slice %get3A_137 {offsets = [0, 0], sizes = [75, 32], strides = [1, 1]} : vector<75x128xf32> to vector<75x32xf32>
      %slice3A_160 = vector.extract_strided_slice %get3A_140 {offsets = [0, 0], sizes = [75, 32], strides = [1, 1]} : vector<75x128xf32> to vector<75x32xf32>
      %dot_general3A_161 = arith.constant dense<0.000000e+00> : vector<75x75xf32>
      %dot_general3A_162 = tpu.matmul %slice3A, %slice3A_159, %dot_general3A_161 {dimension_numbers = #tpu.dot_dimension_numbers<[1], [1], [0], [0], [0, 0, 1, 0], [], []>, transpose_lhs_hint = false} : vector<75x32xf32>, vector<75x32xf32>, vector<75x75xf32> -> vector<75x75xf32>
      %mul3A_163 = arith.constant 0.0883883461 : f32
      %mul3A_164 = vector.broadcast %mul3A_163 : f32 to vector<75x75xf32>
      %mul3A_165 = arith.mulf %dot_general3A_162, %mul3A_164 : vector<75x75xf32>
      %reduce_max3A = arith.constant dense<0xFF800000> : vector<75xf32>
      %reduce_max3A_166 = vector.multi_reduction <maximumf>, %mul3A_165, %reduce_max3A [1] : vector<75x75xf32> to vector<75xf32>
      %broadcast_in_dim3A_167 = vector.shape_cast %reduce_max3A_166 : vector<75xf32> to vector<75x1xf32>
      %sub3A_168 = vector.broadcast %broadcast_in_dim3A_167 : vector<75x1xf32> to vector<75x75xf32>
      %sub3A_169 = arith.subf %mul3A_165, %sub3A_168 : vector<75x75xf32>
      %exp3A = math.exp %sub3A_169 : vector<75x75xf32>
      %reduce_sum3A_170 = arith.constant dense<0.000000e+00> : vector<75xf32>
      %reduce_sum3A_171 = vector.multi_reduction <add>, %exp3A, %reduce_sum3A_170 [1] : vector<75x75xf32> to vector<75xf32>
      %broadcast_in_dim3A_172 = vector.shape_cast %reduce_sum3A_171 : vector<75xf32> to vector<75x1xf32>
      %div3A_173 = vector.broadcast %broadcast_in_dim3A_172 : vector<75x1xf32> to vector<75x75xf32>
      %div3A_174 = arith.divf %exp3A, %div3A_173 : vector<75x75xf32>
      %dot_general3A_175 = arith.constant dense<0.000000e+00> : vector<75x32xf32>
      %dot_general3A_176 = tpu.matmul %div3A_174, %slice3A_160, %dot_general3A_175 {dimension_numbers = #tpu.dot_dimension_numbers<[1], [0], [0], [1], [0, 0, 1, 1], [], []>, transpose_lhs_hint = false} : vector<75x75xf32>, vector<75x32xf32>, vector<75x32xf32> -> vector<75x32xf32>
      %add3A_177 = arith.addf %slice3A, %dot_general3A_176 : vector<75x32xf32>
      %slice3A_178 = vector.extract_strided_slice %get3A_134 {offsets = [0, 32], sizes = [75, 32], strides = [1, 1]} : vector<75x128xf32> to vector<75x32xf32>
      %slice3A_179 = vector.extract_strided_slice %get3A_137 {offsets = [0, 32], sizes = [75, 32], strides = [1, 1]} : vector<75x128xf32> to vector<75x32xf32>
      %slice3A_180 = vector.extract_strided_slice %get3A_140 {offsets = [0, 32], sizes = [75, 32], strides = [1, 1]} : vector<75x128xf32> to vector<75x32xf32>
      %dot_general3A_181 = arith.constant dense<0.000000e+00> : vector<75x75xf32>
      %dot_general3A_182 = tpu.matmul %slice3A_178, %slice3A_179, %dot_general3A_181 {dimension_numbers = #tpu.dot_dimension_numbers<[1], [1], [0], [0], [0, 0, 1, 0], [], []>, transpose_lhs_hint = false} : vector<75x32xf32>, vector<75x32xf32>, vector<75x75xf32> -> vector<75x75xf32>
      %mul3A_183 = arith.constant 0.0883883461 : f32
      %mul3A_184 = vector.broadcast %mul3A_183 : f32 to vector<75x75xf32>
      %mul3A_185 = arith.mulf %dot_general3A_182, %mul3A_184 : vector<75x75xf32>
      %reduce_max3A_186 = arith.constant dense<0xFF800000> : vector<75xf32>
      %reduce_max3A_187 = vector.multi_reduction <maximumf>, %mul3A_185, %reduce_max3A_186 [1] : vector<75x75xf32> to vector<75xf32>
      %broadcast_in_dim3A_188 = vector.shape_cast %reduce_max3A_187 : vector<75xf32> to vector<75x1xf32>
      %sub3A_189 = vector.broadcast %broadcast_in_dim3A_188 : vector<75x1xf32> to vector<75x75xf32>
      %sub3A_190 = arith.subf %mul3A_185, %sub3A_189 : vector<75x75xf32>
      %exp3A_191 = math.exp %sub3A_190 : vector<75x75xf32>
      %reduce_sum3A_192 = arith.constant dense<0.000000e+00> : vector<75xf32>
      %reduce_sum3A_193 = vector.multi_reduction <add>, %exp3A_191, %reduce_sum3A_192 [1] : vector<75x75xf32> to vector<75xf32>
      %broadcast_in_dim3A_194 = vector.shape_cast %reduce_sum3A_193 : vector<75xf32> to vector<75x1xf32>
      %div3A_195 = vector.broadcast %broadcast_in_dim3A_194 : vector<75x1xf32> to vector<75x75xf32>
      %div3A_196 = arith.divf %exp3A_191, %div3A_195 : vector<75x75xf32>
      %dot_general3A_197 = arith.constant dense<0.000000e+00> : vector<75x32xf32>
      %dot_general3A_198 = tpu.matmul %div3A_196, %slice3A_180, %dot_general3A_197 {dimension_numbers = #tpu.dot_dimension_numbers<[1], [0], [0], [1], [0, 0, 1, 1], [], []>, transpose_lhs_hint = false} : vector<75x75xf32>, vector<75x32xf32>, vector<75x32xf32> -> vector<75x32xf32>
      %add3A_199 = arith.addf %slice3A_178, %dot_general3A_198 : vector<75x32xf32>
      %slice3A_200 = vector.extract_strided_slice %get3A_134 {offsets = [0, 64], sizes = [75, 32], strides = [1, 1]} : vector<75x128xf32> to vector<75x32xf32>
      %slice3A_201 = vector.extract_strided_slice %get3A_137 {offsets = [0, 64], sizes = [75, 32], strides = [1, 1]} : vector<75x128xf32> to vector<75x32xf32>
      %slice3A_202 = vector.extract_strided_slice %get3A_140 {offsets = [0, 64], sizes = [75, 32], strides = [1, 1]} : vector<75x128xf32> to vector<75x32xf32>
      %dot_general3A_203 = arith.constant dense<0.000000e+00> : vector<75x75xf32>
      %dot_general3A_204 = tpu.matmul %slice3A_200, %slice3A_201, %dot_general3A_203 {dimension_numbers = #tpu.dot_dimension_numbers<[1], [1], [0], [0], [0, 0, 1, 0], [], []>, transpose_lhs_hint = false} : vector<75x32xf32>, vector<75x32xf32>, vector<75x75xf32> -> vector<75x75xf32>
      %mul3A_205 = arith.constant 0.0883883461 : f32
      %mul3A_206 = vector.broadcast %mul3A_205 : f32 to vector<75x75xf32>
      %mul3A_207 = arith.mulf %dot_general3A_204, %mul3A_206 : vector<75x75xf32>
      %reduce_max3A_208 = arith.constant dense<0xFF800000> : vector<75xf32>
      %reduce_max3A_209 = vector.multi_reduction <maximumf>, %mul3A_207, %reduce_max3A_208 [1] : vector<75x75xf32> to vector<75xf32>
      %broadcast_in_dim3A_210 = vector.shape_cast %reduce_max3A_209 : vector<75xf32> to vector<75x1xf32>
      %sub3A_211 = vector.broadcast %broadcast_in_dim3A_210 : vector<75x1xf32> to vector<75x75xf32>
      %sub3A_212 = arith.subf %mul3A_207, %sub3A_211 : vector<75x75xf32>
      %exp3A_213 = math.exp %sub3A_212 : vector<75x75xf32>
      %reduce_sum3A_214 = arith.constant dense<0.000000e+00> : vector<75xf32>
      %reduce_sum3A_215 = vector.multi_reduction <add>, %exp3A_213, %reduce_sum3A_214 [1] : vector<75x75xf32> to vector<75xf32>
      %broadcast_in_dim3A_216 = vector.shape_cast %reduce_sum3A_215 : vector<75xf32> to vector<75x1xf32>
      %div3A_217 = vector.broadcast %broadcast_in_dim3A_216 : vector<75x1xf32> to vector<75x75xf32>
      %div3A_218 = arith.divf %exp3A_213, %div3A_217 : vector<75x75xf32>
      %dot_general3A_219 = arith.constant dense<0.000000e+00> : vector<75x32xf32>
      %dot_general3A_220 = tpu.matmul %div3A_218, %slice3A_202, %dot_general3A_219 {dimension_numbers = #tpu.dot_dimension_numbers<[1], [0], [0], [1], [0, 0, 1, 1], [], []>, transpose_lhs_hint = false} : vector<75x75xf32>, vector<75x32xf32>, vector<75x32xf32> -> vector<75x32xf32>
      %add3A_221 = arith.addf %slice3A_200, %dot_general3A_220 : vector<75x32xf32>
      %slice3A_222 = vector.extract_strided_slice %get3A_134 {offsets = [0, 96], sizes = [75, 32], strides = [1, 1]} : vector<75x128xf32> to vector<75x32xf32>
      %slice3A_223 = vector.extract_strided_slice %get3A_137 {offsets = [0, 96], sizes = [75, 32], strides = [1, 1]} : vector<75x128xf32> to vector<75x32xf32>
      %slice3A_224 = vector.extract_strided_slice %get3A_140 {offsets = [0, 96], sizes = [75, 32], strides = [1, 1]} : vector<75x128xf32> to vector<75x32xf32>
      %dot_general3A_225 = arith.constant dense<0.000000e+00> : vector<75x75xf32>
      %dot_general3A_226 = tpu.matmul %slice3A_222, %slice3A_223, %dot_general3A_225 {dimension_numbers = #tpu.dot_dimension_numbers<[1], [1], [0], [0], [0, 0, 1, 0], [], []>, transpose_lhs_hint = false} : vector<75x32xf32>, vector<75x32xf32>, vector<75x75xf32> -> vector<75x75xf32>
      %mul3A_227 = arith.constant 0.0883883461 : f32
      %mul3A_228 = vector.broadcast %mul3A_227 : f32 to vector<75x75xf32>
      %mul3A_229 = arith.mulf %dot_general3A_226, %mul3A_228 : vector<75x75xf32>
      %reduce_max3A_230 = arith.constant dense<0xFF800000> : vector<75xf32>
      %reduce_max3A_231 = vector.multi_reduction <maximumf>, %mul3A_229, %reduce_max3A_230 [1] : vector<75x75xf32> to vector<75xf32>
      %broadcast_in_dim3A_232 = vector.shape_cast %reduce_max3A_231 : vector<75xf32> to vector<75x1xf32>
      %sub3A_233 = vector.broadcast %broadcast_in_dim3A_232 : vector<75x1xf32> to vector<75x75xf32>
      %sub3A_234 = arith.subf %mul3A_229, %sub3A_233 : vector<75x75xf32>
      %exp3A_235 = math.exp %sub3A_234 : vector<75x75xf32>
      %reduce_sum3A_236 = arith.constant dense<0.000000e+00> : vector<75xf32>
      %reduce_sum3A_237 = vector.multi_reduction <add>, %exp3A_235, %reduce_sum3A_236 [1] : vector<75x75xf32> to vector<75xf32>
      %broadcast_in_dim3A_238 = vector.shape_cast %reduce_sum3A_237 : vector<75xf32> to vector<75x1xf32>
      %div3A_239 = vector.broadcast %broadcast_in_dim3A_238 : vector<75x1xf32> to vector<75x75xf32>
      %div3A_240 = arith.divf %exp3A_235, %div3A_239 : vector<75x75xf32>
      %dot_general3A_241 = arith.constant dense<0.000000e+00> : vector<75x32xf32>
      %dot_general3A_242 = tpu.matmul %div3A_240, %slice3A_224, %dot_general3A_241 {dimension_numbers = #tpu.dot_dimension_numbers<[1], [0], [0], [1], [0, 0, 1, 1], [], []>, transpose_lhs_hint = false} : vector<75x75xf32>, vector<75x32xf32>, vector<75x32xf32> -> vector<75x32xf32>
      %add3A_243 = arith.addf %slice3A_222, %dot_general3A_242 : vector<75x32xf32>
      %concatenate3A = tpu.concatenate %add3A_177, %add3A_199, %add3A_221, %add3A_243 in 1 : vector<75x32xf32>, vector<75x32xf32>, vector<75x32xf32>, vector<75x32xf32> -> vector<75x128xf32>
      %reduce_sum3A_244 = arith.constant dense<0.000000e+00> : vector<75xf32>
      %reduce_sum3A_245 = vector.multi_reduction <add>, %concatenate3A, %reduce_sum3A_244 [1] : vector<75x128xf32> to vector<75xf32>
      %broadcast_in_dim3A_246 = vector.shape_cast %reduce_sum3A_245 : vector<75xf32> to vector<75x1xf32>
      %div3A_247 = arith.constant 1.280000e+02 : f32
      %div3A_248 = vector.broadcast %div3A_247 : f32 to vector<75x1xf32>
      %div3A_249 = arith.divf %broadcast_in_dim3A_246, %div3A_248 : vector<75x1xf32>
      %sub3A_250 = vector.broadcast %div3A_249 : vector<75x1xf32> to vector<75x128xf32>
      %sub3A_251 = arith.subf %concatenate3A, %sub3A_250 : vector<75x128xf32>
      %integer_pow3A_252 = arith.mulf %sub3A_251, %sub3A_251 : vector<75x128xf32>
      %reduce_sum3A_253 = arith.constant dense<0.000000e+00> : vector<75xf32>
      %reduce_sum3A_254 = vector.multi_reduction <add>, %integer_pow3A_252, %reduce_sum3A_253 [1] : vector<75x128xf32> to vector<75xf32>
      %broadcast_in_dim3A_255 = vector.shape_cast %reduce_sum3A_254 : vector<75xf32> to vector<75x1xf32>
      %div3A_256 = arith.constant 1.280000e+02 : f32
      %div3A_257 = vector.broadcast %div3A_256 : f32 to vector<75x1xf32>
      %div3A_258 = arith.divf %broadcast_in_dim3A_255, %div3A_257 : vector<75x1xf32>
      %sub3A_259 = vector.broadcast %div3A_249 : vector<75x1xf32> to vector<75x128xf32>
      %sub3A_260 = arith.subf %concatenate3A, %sub3A_259 : vector<75x128xf32>
      %add3A_261 = arith.constant 9.99999974E-6 : f32
      %add3A_262 = vector.broadcast %add3A_261 : f32 to vector<75x1xf32>
      %add3A_263 = arith.addf %div3A_258, %add3A_262 : vector<75x1xf32>
      %sqrt3A_264 = math.sqrt %add3A_263 : vector<75x1xf32>
      %div3A_265 = vector.broadcast %sqrt3A_264 : vector<75x1xf32> to vector<75x128xf32>
      %div3A_266 = arith.divf %sub3A_260, %div3A_265 : vector<75x128xf32>
      %mul3A_267 = vector.broadcast %get3A_149 : vector<1x128xf32> to vector<75x128xf32>
      %mul3A_268 = arith.mulf %div3A_266, %mul3A_267 : vector<75x128xf32>
      %add3A_269 = vector.broadcast %get3A_152 : vector<1x128xf32> to vector<75x128xf32>
      %add3A_270 = arith.addf %mul3A_268, %add3A_269 : vector<75x128xf32>
      %dot_general3A_271 = arith.constant dense<0.000000e+00> : vector<75x128xf32>
      %dot_general3A_272 = tpu.matmul %add3A_270, %get3A_143, %dot_general3A_271 {dimension_numbers = #tpu.dot_dimension_numbers<[1], [0], [0], [1], [0, 0, 1, 1], [], []>, transpose_lhs_hint = false} : vector<75x128xf32>, vector<128x128xf32>, vector<75x128xf32> -> vector<75x128xf32>
      %add3A_273 = vector.broadcast %get3A_146 : vector<1x128xf32> to vector<75x128xf32>
      %add3A_274 = arith.addf %dot_general3A_272, %add3A_273 : vector<75x128xf32>
      %max3A_275 = arith.constant 0.000000e+00 : f32
      %max3A_276 = vector.broadcast %max3A_275 : f32 to vector<75x128xf32>
      %max3A_277 = arith.maximumf %add3A_274, %max3A_276 : vector<75x128xf32>
      %add3A_278 = arith.addf %add3A_270, %max3A_277 : vector<75x128xf32>
      %reduce_sum3A_279 = arith.constant dense<0.000000e+00> : vector<75xf32>
      %reduce_sum3A_280 = vector.multi_reduction <add>, %add3A_278, %reduce_sum3A_279 [1] : vector<75x128xf32> to vector<75xf32>
      %broadcast_in_dim3A_281 = vector.shape_cast %reduce_sum3A_280 : vector<75xf32> to vector<75x1xf32>
      %div3A_282 = arith.constant 1.280000e+02 : f32
      %div3A_283 = vector.broadcast %div3A_282 : f32 to vector<75x1xf32>
      %div3A_284 = arith.divf %broadcast_in_dim3A_281, %div3A_283 : vector<75x1xf32>
      %sub3A_285 = vector.broadcast %div3A_284 : vector<75x1xf32> to vector<75x128xf32>
      %sub3A_286 = arith.subf %add3A_278, %sub3A_285 : vector<75x128xf32>
      %integer_pow3A_287 = arith.mulf %sub3A_286, %sub3A_286 : vector<75x128xf32>
      %reduce_sum3A_288 = arith.constant dense<0.000000e+00> : vector<75xf32>
      %reduce_sum3A_289 = vector.multi_reduction <add>, %integer_pow3A_287, %reduce_sum3A_288 [1] : vector<75x128xf32> to vector<75xf32>
      %broadcast_in_dim3A_290 = vector.shape_cast %reduce_sum3A_289 : vector<75xf32> to vector<75x1xf32>
      %div3A_291 = arith.constant 1.280000e+02 : f32
      %div3A_292 = vector.broadcast %div3A_291 : f32 to vector<75x1xf32>
      %div3A_293 = arith.divf %broadcast_in_dim3A_290, %div3A_292 : vector<75x1xf32>
      %sub3A_294 = vector.broadcast %div3A_284 : vector<75x1xf32> to vector<75x128xf32>
      %sub3A_295 = arith.subf %add3A_278, %sub3A_294 : vector<75x128xf32>
      %add3A_296 = arith.constant 9.99999974E-6 : f32
      %add3A_297 = vector.broadcast %add3A_296 : f32 to vector<75x1xf32>
      %add3A_298 = arith.addf %div3A_293, %add3A_297 : vector<75x1xf32>
      %sqrt3A_299 = math.sqrt %add3A_298 : vector<75x1xf32>
      %div3A_300 = vector.broadcast %sqrt3A_299 : vector<75x1xf32> to vector<75x128xf32>
      %div3A_301 = arith.divf %sub3A_295, %div3A_300 : vector<75x128xf32>
      %mul3A_302 = vector.broadcast %get3A_155 : vector<1x128xf32> to vector<75x128xf32>
      %mul3A_303 = arith.mulf %div3A_301, %mul3A_302 : vector<75x128xf32>
      %add3A_304 = vector.broadcast %get3A_158 : vector<1x128xf32> to vector<75x128xf32>
      %add3A_305 = arith.addf %mul3A_303, %add3A_304 : vector<75x128xf32>
      %get3A_306 = arith.constant 0 : index
      %get3A_307 = arith.constant 0 : index
      %get3A_308 = vector.load %arg22[%get3A_306, %get3A_307] : memref<128x128xf32, #tpu.memory_space<vmem>>, vector<128x128xf32>
      %dot_general3A_309 = arith.constant dense<0.000000e+00> : vector<75x128xf32>
      %dot_general3A_310 = tpu.matmul %add3A_305, %get3A_308, %dot_general3A_309 {dimension_numbers = #tpu.dot_dimension_numbers<[1], [0], [0], [1], [0, 0, 1, 1], [], []>, transpose_lhs_hint = false} : vector<75x128xf32>, vector<128x128xf32>, vector<75x128xf32> -> vector<75x128xf32>
      %get3A_311 = arith.constant 0 : index
      %get3A_312 = arith.constant 0 : index
      %get3A_313 = vector.load %arg23[%get3A_311, %get3A_312] : memref<1x128xf32, #tpu.memory_space<vmem>>, vector<1x128xf32>
      %add3A_314 = vector.broadcast %get3A_313 : vector<1x128xf32> to vector<75x128xf32>
      %add3A_315 = arith.addf %dot_general3A_310, %add3A_314 : vector<75x128xf32>
      %get3A_316 = arith.constant 0 : index
      %get3A_317 = arith.constant 0 : index
      %get3A_318 = vector.load %arg24[%get3A_316, %get3A_317] : memref<128x128xf32, #tpu.memory_space<vmem>>, vector<128x128xf32>
      %dot_general3A_319 = arith.constant dense<0.000000e+00> : vector<75x128xf32>
      %dot_general3A_320 = tpu.matmul %add3A_305, %get3A_318, %dot_general3A_319 {dimension_numbers = #tpu.dot_dimension_numbers<[1], [0], [0], [1], [0, 0, 1, 1], [], []>, transpose_lhs_hint = false} : vector<75x128xf32>, vector<128x128xf32>, vector<75x128xf32> -> vector<75x128xf32>
      %get3A_321 = arith.constant 0 : index
      %get3A_322 = arith.constant 0 : index
      %get3A_323 = vector.load %arg25[%get3A_321, %get3A_322] : memref<1x128xf32, #tpu.memory_space<vmem>>, vector<1x128xf32>
      %add3A_324 = vector.broadcast %get3A_323 : vector<1x128xf32> to vector<75x128xf32>
      %add3A_325 = arith.addf %dot_general3A_320, %add3A_324 : vector<75x128xf32>
      %get3A_326 = arith.constant 0 : index
      %get3A_327 = arith.constant 0 : index
      %get3A_328 = vector.load %arg3[%get3A_326, %get3A_327] : memref<1x128xf32, #tpu.memory_space<vmem>>, vector<1x128xf32>
      %get3A_329 = arith.constant 0 : index
      %get3A_330 = arith.constant 0 : index
      %get3A_331 = vector.load %arg26[%get3A_329, %get3A_330] : memref<128x128xf32, #tpu.memory_space<vmem>>, vector<128x128xf32>
      %get3A_332 = arith.constant 0 : index
      %get3A_333 = arith.constant 0 : index
      %get3A_334 = vector.load %arg27[%get3A_332, %get3A_333] : memref<1x128xf32, #tpu.memory_space<vmem>>, vector<1x128xf32>
      %get3A_335 = arith.constant 0 : index
      %get3A_336 = arith.constant 0 : index
      %get3A_337 = vector.load %arg28[%get3A_335, %get3A_336] : memref<1x128xf32, #tpu.memory_space<vmem>>, vector<1x128xf32>
      %get3A_338 = arith.constant 0 : index
      %get3A_339 = arith.constant 0 : index
      %get3A_340 = vector.load %arg29[%get3A_338, %get3A_339] : memref<1x128xf32, #tpu.memory_space<vmem>>, vector<1x128xf32>
      %get3A_341 = arith.constant 0 : index
      %get3A_342 = arith.constant 0 : index
      %get3A_343 = vector.load %arg30[%get3A_341, %get3A_342] : memref<1x128xf32, #tpu.memory_space<vmem>>, vector<1x128xf32>
      %get3A_344 = arith.constant 0 : index
      %get3A_345 = arith.constant 0 : index
      %get3A_346 = vector.load %arg31[%get3A_344, %get3A_345] : memref<1x128xf32, #tpu.memory_space<vmem>>, vector<1x128xf32>
      %slice3A_347 = vector.extract_strided_slice %get3A_328 {offsets = [0, 0], sizes = [1, 32], strides = [1, 1]} : vector<1x128xf32> to vector<1x32xf32>
      %slice3A_348 = vector.extract_strided_slice %add3A_315 {offsets = [0, 0], sizes = [75, 32], strides = [1, 1]} : vector<75x128xf32> to vector<75x32xf32>
      %slice3A_349 = vector.extract_strided_slice %add3A_325 {offsets = [0, 0], sizes = [75, 32], strides = [1, 1]} : vector<75x128xf32> to vector<75x32xf32>
      %dot_general3A_350 = arith.constant dense<0.000000e+00> : vector<1x75xf32>
      %dot_general3A_351 = tpu.matmul %slice3A_347, %slice3A_348, %dot_general3A_350 {dimension_numbers = #tpu.dot_dimension_numbers<[1], [1], [0], [0], [0, 0, 1, 0], [], []>, transpose_lhs_hint = false} : vector<1x32xf32>, vector<75x32xf32>, vector<1x75xf32> -> vector<1x75xf32>
      %mul3A_352 = arith.constant 0.0883883461 : f32
      %mul3A_353 = vector.broadcast %mul3A_352 : f32 to vector<1x75xf32>
      %mul3A_354 = arith.mulf %dot_general3A_351, %mul3A_353 : vector<1x75xf32>
      %reduce_max3A_355 = arith.constant dense<0xFF800000> : vector<1xf32>
      %reduce_max3A_356 = vector.multi_reduction <maximumf>, %mul3A_354, %reduce_max3A_355 [1] : vector<1x75xf32> to vector<1xf32>
      %broadcast_in_dim3A_357 = vector.shape_cast %reduce_max3A_356 : vector<1xf32> to vector<1x1xf32>
      %sub3A_358 = vector.broadcast %broadcast_in_dim3A_357 : vector<1x1xf32> to vector<1x75xf32>
      %sub3A_359 = arith.subf %mul3A_354, %sub3A_358 : vector<1x75xf32>
      %exp3A_360 = math.exp %sub3A_359 : vector<1x75xf32>
      %reduce_sum3A_361 = arith.constant dense<0.000000e+00> : vector<1xf32>
      %reduce_sum3A_362 = vector.multi_reduction <add>, %exp3A_360, %reduce_sum3A_361 [1] : vector<1x75xf32> to vector<1xf32>
      %broadcast_in_dim3A_363 = vector.shape_cast %reduce_sum3A_362 : vector<1xf32> to vector<1x1xf32>
      %div3A_364 = vector.broadcast %broadcast_in_dim3A_363 : vector<1x1xf32> to vector<1x75xf32>
      %div3A_365 = arith.divf %exp3A_360, %div3A_364 : vector<1x75xf32>
      %dot_general3A_366 = arith.constant dense<0.000000e+00> : vector<1x32xf32>
      %dot_general3A_367 = tpu.matmul %div3A_365, %slice3A_349, %dot_general3A_366 {dimension_numbers = #tpu.dot_dimension_numbers<[1], [0], [0], [1], [0, 0, 1, 1], [], []>, transpose_lhs_hint = false} : vector<1x75xf32>, vector<75x32xf32>, vector<1x32xf32> -> vector<1x32xf32>
      %add3A_368 = arith.addf %slice3A_347, %dot_general3A_367 : vector<1x32xf32>
      %slice3A_369 = vector.extract_strided_slice %get3A_328 {offsets = [0, 32], sizes = [1, 32], strides = [1, 1]} : vector<1x128xf32> to vector<1x32xf32>
      %slice3A_370 = vector.extract_strided_slice %add3A_315 {offsets = [0, 32], sizes = [75, 32], strides = [1, 1]} : vector<75x128xf32> to vector<75x32xf32>
      %slice3A_371 = vector.extract_strided_slice %add3A_325 {offsets = [0, 32], sizes = [75, 32], strides = [1, 1]} : vector<75x128xf32> to vector<75x32xf32>
      %dot_general3A_372 = arith.constant dense<0.000000e+00> : vector<1x75xf32>
      %dot_general3A_373 = tpu.matmul %slice3A_369, %slice3A_370, %dot_general3A_372 {dimension_numbers = #tpu.dot_dimension_numbers<[1], [1], [0], [0], [0, 0, 1, 0], [], []>, transpose_lhs_hint = false} : vector<1x32xf32>, vector<75x32xf32>, vector<1x75xf32> -> vector<1x75xf32>
      %mul3A_374 = arith.constant 0.0883883461 : f32
      %mul3A_375 = vector.broadcast %mul3A_374 : f32 to vector<1x75xf32>
      %mul3A_376 = arith.mulf %dot_general3A_373, %mul3A_375 : vector<1x75xf32>
      %reduce_max3A_377 = arith.constant dense<0xFF800000> : vector<1xf32>
      %reduce_max3A_378 = vector.multi_reduction <maximumf>, %mul3A_376, %reduce_max3A_377 [1] : vector<1x75xf32> to vector<1xf32>
      %broadcast_in_dim3A_379 = vector.shape_cast %reduce_max3A_378 : vector<1xf32> to vector<1x1xf32>
      %sub3A_380 = vector.broadcast %broadcast_in_dim3A_379 : vector<1x1xf32> to vector<1x75xf32>
      %sub3A_381 = arith.subf %mul3A_376, %sub3A_380 : vector<1x75xf32>
      %exp3A_382 = math.exp %sub3A_381 : vector<1x75xf32>
      %reduce_sum3A_383 = arith.constant dense<0.000000e+00> : vector<1xf32>
      %reduce_sum3A_384 = vector.multi_reduction <add>, %exp3A_382, %reduce_sum3A_383 [1] : vector<1x75xf32> to vector<1xf32>
      %broadcast_in_dim3A_385 = vector.shape_cast %reduce_sum3A_384 : vector<1xf32> to vector<1x1xf32>
      %div3A_386 = vector.broadcast %broadcast_in_dim3A_385 : vector<1x1xf32> to vector<1x75xf32>
      %div3A_387 = arith.divf %exp3A_382, %div3A_386 : vector<1x75xf32>
      %dot_general3A_388 = arith.constant dense<0.000000e+00> : vector<1x32xf32>
      %dot_general3A_389 = tpu.matmul %div3A_387, %slice3A_371, %dot_general3A_388 {dimension_numbers = #tpu.dot_dimension_numbers<[1], [0], [0], [1], [0, 0, 1, 1], [], []>, transpose_lhs_hint = false} : vector<1x75xf32>, vector<75x32xf32>, vector<1x32xf32> -> vector<1x32xf32>
      %add3A_390 = arith.addf %slice3A_369, %dot_general3A_389 : vector<1x32xf32>
      %slice3A_391 = vector.extract_strided_slice %get3A_328 {offsets = [0, 64], sizes = [1, 32], strides = [1, 1]} : vector<1x128xf32> to vector<1x32xf32>
      %slice3A_392 = vector.extract_strided_slice %add3A_315 {offsets = [0, 64], sizes = [75, 32], strides = [1, 1]} : vector<75x128xf32> to vector<75x32xf32>
      %slice3A_393 = vector.extract_strided_slice %add3A_325 {offsets = [0, 64], sizes = [75, 32], strides = [1, 1]} : vector<75x128xf32> to vector<75x32xf32>
      %dot_general3A_394 = arith.constant dense<0.000000e+00> : vector<1x75xf32>
      %dot_general3A_395 = tpu.matmul %slice3A_391, %slice3A_392, %dot_general3A_394 {dimension_numbers = #tpu.dot_dimension_numbers<[1], [1], [0], [0], [0, 0, 1, 0], [], []>, transpose_lhs_hint = false} : vector<1x32xf32>, vector<75x32xf32>, vector<1x75xf32> -> vector<1x75xf32>
      %mul3A_396 = arith.constant 0.0883883461 : f32
      %mul3A_397 = vector.broadcast %mul3A_396 : f32 to vector<1x75xf32>
      %mul3A_398 = arith.mulf %dot_general3A_395, %mul3A_397 : vector<1x75xf32>
      %reduce_max3A_399 = arith.constant dense<0xFF800000> : vector<1xf32>
      %reduce_max3A_400 = vector.multi_reduction <maximumf>, %mul3A_398, %reduce_max3A_399 [1] : vector<1x75xf32> to vector<1xf32>
      %broadcast_in_dim3A_401 = vector.shape_cast %reduce_max3A_400 : vector<1xf32> to vector<1x1xf32>
      %sub3A_402 = vector.broadcast %broadcast_in_dim3A_401 : vector<1x1xf32> to vector<1x75xf32>
      %sub3A_403 = arith.subf %mul3A_398, %sub3A_402 : vector<1x75xf32>
      %exp3A_404 = math.exp %sub3A_403 : vector<1x75xf32>
      %reduce_sum3A_405 = arith.constant dense<0.000000e+00> : vector<1xf32>
      %reduce_sum3A_406 = vector.multi_reduction <add>, %exp3A_404, %reduce_sum3A_405 [1] : vector<1x75xf32> to vector<1xf32>
      %broadcast_in_dim3A_407 = vector.shape_cast %reduce_sum3A_406 : vector<1xf32> to vector<1x1xf32>
      %div3A_408 = vector.broadcast %broadcast_in_dim3A_407 : vector<1x1xf32> to vector<1x75xf32>
      %div3A_409 = arith.divf %exp3A_404, %div3A_408 : vector<1x75xf32>
      %dot_general3A_410 = arith.constant dense<0.000000e+00> : vector<1x32xf32>
      %dot_general3A_411 = tpu.matmul %div3A_409, %slice3A_393, %dot_general3A_410 {dimension_numbers = #tpu.dot_dimension_numbers<[1], [0], [0], [1], [0, 0, 1, 1], [], []>, transpose_lhs_hint = false} : vector<1x75xf32>, vector<75x32xf32>, vector<1x32xf32> -> vector<1x32xf32>
      %add3A_412 = arith.addf %slice3A_391, %dot_general3A_411 : vector<1x32xf32>
      %slice3A_413 = vector.extract_strided_slice %get3A_328 {offsets = [0, 96], sizes = [1, 32], strides = [1, 1]} : vector<1x128xf32> to vector<1x32xf32>
      %slice3A_414 = vector.extract_strided_slice %add3A_315 {offsets = [0, 96], sizes = [75, 32], strides = [1, 1]} : vector<75x128xf32> to vector<75x32xf32>
      %slice3A_415 = vector.extract_strided_slice %add3A_325 {offsets = [0, 96], sizes = [75, 32], strides = [1, 1]} : vector<75x128xf32> to vector<75x32xf32>
      %dot_general3A_416 = arith.constant dense<0.000000e+00> : vector<1x75xf32>
      %dot_general3A_417 = tpu.matmul %slice3A_413, %slice3A_414, %dot_general3A_416 {dimension_numbers = #tpu.dot_dimension_numbers<[1], [1], [0], [0], [0, 0, 1, 0], [], []>, transpose_lhs_hint = false} : vector<1x32xf32>, vector<75x32xf32>, vector<1x75xf32> -> vector<1x75xf32>
      %mul3A_418 = arith.constant 0.0883883461 : f32
      %mul3A_419 = vector.broadcast %mul3A_418 : f32 to vector<1x75xf32>
      %mul3A_420 = arith.mulf %dot_general3A_417, %mul3A_419 : vector<1x75xf32>
      %reduce_max3A_421 = arith.constant dense<0xFF800000> : vector<1xf32>
      %reduce_max3A_422 = vector.multi_reduction <maximumf>, %mul3A_420, %reduce_max3A_421 [1] : vector<1x75xf32> to vector<1xf32>
      %broadcast_in_dim3A_423 = vector.shape_cast %reduce_max3A_422 : vector<1xf32> to vector<1x1xf32>
      %sub3A_424 = vector.broadcast %broadcast_in_dim3A_423 : vector<1x1xf32> to vector<1x75xf32>
      %sub3A_425 = arith.subf %mul3A_420, %sub3A_424 : vector<1x75xf32>
      %exp3A_426 = math.exp %sub3A_425 : vector<1x75xf32>
      %reduce_sum3A_427 = arith.constant dense<0.000000e+00> : vector<1xf32>
      %reduce_sum3A_428 = vector.multi_reduction <add>, %exp3A_426, %reduce_sum3A_427 [1] : vector<1x75xf32> to vector<1xf32>
      %broadcast_in_dim3A_429 = vector.shape_cast %reduce_sum3A_428 : vector<1xf32> to vector<1x1xf32>
      %div3A_430 = vector.broadcast %broadcast_in_dim3A_429 : vector<1x1xf32> to vector<1x75xf32>
      %div3A_431 = arith.divf %exp3A_426, %div3A_430 : vector<1x75xf32>
      %dot_general3A_432 = arith.constant dense<0.000000e+00> : vector<1x32xf32>
      %dot_general3A_433 = tpu.matmul %div3A_431, %slice3A_415, %dot_general3A_432 {dimension_numbers = #tpu.dot_dimension_numbers<[1], [0], [0], [1], [0, 0, 1, 1], [], []>, transpose_lhs_hint = false} : vector<1x75xf32>, vector<75x32xf32>, vector<1x32xf32> -> vector<1x32xf32>
      %add3A_434 = arith.addf %slice3A_413, %dot_general3A_433 : vector<1x32xf32>
      %concatenate3A_435 = tpu.concatenate %add3A_368, %add3A_390, %add3A_412, %add3A_434 in 1 : vector<1x32xf32>, vector<1x32xf32>, vector<1x32xf32>, vector<1x32xf32> -> vector<1x128xf32>
      %reduce_sum3A_436 = arith.constant dense<0.000000e+00> : vector<1xf32>
      %reduce_sum3A_437 = vector.multi_reduction <add>, %concatenate3A_435, %reduce_sum3A_436 [1] : vector<1x128xf32> to vector<1xf32>
      %broadcast_in_dim3A_438 = vector.shape_cast %reduce_sum3A_437 : vector<1xf32> to vector<1x1xf32>
      %div3A_439 = arith.constant 1.280000e+02 : f32
      %div3A_440 = vector.broadcast %div3A_439 : f32 to vector<1x1xf32>
      %div3A_441 = arith.divf %broadcast_in_dim3A_438, %div3A_440 : vector<1x1xf32>
      %sub3A_442 = vector.broadcast %div3A_441 : vector<1x1xf32> to vector<1x128xf32>
      %sub3A_443 = arith.subf %concatenate3A_435, %sub3A_442 : vector<1x128xf32>
      %integer_pow3A_444 = arith.mulf %sub3A_443, %sub3A_443 : vector<1x128xf32>
      %reduce_sum3A_445 = arith.constant dense<0.000000e+00> : vector<1xf32>
      %reduce_sum3A_446 = vector.multi_reduction <add>, %integer_pow3A_444, %reduce_sum3A_445 [1] : vector<1x128xf32> to vector<1xf32>
      %broadcast_in_dim3A_447 = vector.shape_cast %reduce_sum3A_446 : vector<1xf32> to vector<1x1xf32>
      %div3A_448 = arith.constant 1.280000e+02 : f32
      %div3A_449 = vector.broadcast %div3A_448 : f32 to vector<1x1xf32>
      %div3A_450 = arith.divf %broadcast_in_dim3A_447, %div3A_449 : vector<1x1xf32>
      %sub3A_451 = vector.broadcast %div3A_441 : vector<1x1xf32> to vector<1x128xf32>
      %sub3A_452 = arith.subf %concatenate3A_435, %sub3A_451 : vector<1x128xf32>
      %add3A_453 = arith.constant 9.99999974E-6 : f32
      %add3A_454 = vector.broadcast %add3A_453 : f32 to vector<1x1xf32>
      %add3A_455 = arith.addf %div3A_450, %add3A_454 : vector<1x1xf32>
      %sqrt3A_456 = math.sqrt %add3A_455 : vector<1x1xf32>
      %div3A_457 = vector.broadcast %sqrt3A_456 : vector<1x1xf32> to vector<1x128xf32>
      %div3A_458 = arith.divf %sub3A_452, %div3A_457 : vector<1x128xf32>
      %mul3A_459 = arith.mulf %div3A_458, %get3A_337 : vector<1x128xf32>
      %add3A_460 = arith.addf %mul3A_459, %get3A_340 : vector<1x128xf32>
      %dot_general3A_461 = arith.constant dense<0.000000e+00> : vector<1x128xf32>
      %dot_general3A_462 = tpu.matmul %add3A_460, %get3A_331, %dot_general3A_461 {dimension_numbers = #tpu.dot_dimension_numbers<[1], [0], [0], [1], [0, 0, 1, 1], [], []>, transpose_lhs_hint = false} : vector<1x128xf32>, vector<128x128xf32>, vector<1x128xf32> -> vector<1x128xf32>
      %add3A_463 = arith.addf %dot_general3A_462, %get3A_334 : vector<1x128xf32>
      %max3A_464 = arith.constant 0.000000e+00 : f32
      %max3A_465 = vector.broadcast %max3A_464 : f32 to vector<1x128xf32>
      %max3A_466 = arith.maximumf %add3A_463, %max3A_465 : vector<1x128xf32>
      %add3A_467 = arith.addf %add3A_460, %max3A_466 : vector<1x128xf32>
      %reduce_sum3A_468 = arith.constant dense<0.000000e+00> : vector<1xf32>
      %reduce_sum3A_469 = vector.multi_reduction <add>, %add3A_467, %reduce_sum3A_468 [1] : vector<1x128xf32> to vector<1xf32>
      %broadcast_in_dim3A_470 = vector.shape_cast %reduce_sum3A_469 : vector<1xf32> to vector<1x1xf32>
      %div3A_471 = arith.constant 1.280000e+02 : f32
      %div3A_472 = vector.broadcast %div3A_471 : f32 to vector<1x1xf32>
      %div3A_473 = arith.divf %broadcast_in_dim3A_470, %div3A_472 : vector<1x1xf32>
      %sub3A_474 = vector.broadcast %div3A_473 : vector<1x1xf32> to vector<1x128xf32>
      %sub3A_475 = arith.subf %add3A_467, %sub3A_474 : vector<1x128xf32>
      %integer_pow3A_476 = arith.mulf %sub3A_475, %sub3A_475 : vector<1x128xf32>
      %reduce_sum3A_477 = arith.constant dense<0.000000e+00> : vector<1xf32>
      %reduce_sum3A_478 = vector.multi_reduction <add>, %integer_pow3A_476, %reduce_sum3A_477 [1] : vector<1x128xf32> to vector<1xf32>
      %broadcast_in_dim3A_479 = vector.shape_cast %reduce_sum3A_478 : vector<1xf32> to vector<1x1xf32>
      %div3A_480 = arith.constant 1.280000e+02 : f32
      %div3A_481 = vector.broadcast %div3A_480 : f32 to vector<1x1xf32>
      %div3A_482 = arith.divf %broadcast_in_dim3A_479, %div3A_481 : vector<1x1xf32>
      %sub3A_483 = vector.broadcast %div3A_473 : vector<1x1xf32> to vector<1x128xf32>
      %sub3A_484 = arith.subf %add3A_467, %sub3A_483 : vector<1x128xf32>
      %add3A_485 = arith.constant 9.99999974E-6 : f32
      %add3A_486 = vector.broadcast %add3A_485 : f32 to vector<1x1xf32>
      %add3A_487 = arith.addf %div3A_482, %add3A_486 : vector<1x1xf32>
      %sqrt3A_488 = math.sqrt %add3A_487 : vector<1x1xf32>
      %div3A_489 = vector.broadcast %sqrt3A_488 : vector<1x1xf32> to vector<1x128xf32>
      %div3A_490 = arith.divf %sub3A_484, %div3A_489 : vector<1x128xf32>
      %mul3A_491 = arith.mulf %div3A_490, %get3A_343 : vector<1x128xf32>
      %add3A_492 = arith.addf %mul3A_491, %get3A_346 : vector<1x128xf32>
      %get3A_493 = arith.constant 0 : index
      %get3A_494 = arith.constant 0 : index
      %get3A_495 = vector.load %arg32[%get3A_493, %get3A_494] : memref<128x8xf32, #tpu.memory_space<vmem>>, vector<128x8xf32>
      %dot_general3A_496 = arith.constant dense<0.000000e+00> : vector<1x8xf32>
      %dot_general3A_497 = tpu.matmul %add3A_492, %get3A_495, %dot_general3A_496 {dimension_numbers = #tpu.dot_dimension_numbers<[1], [0], [0], [1], [0, 0, 1, 1], [], []>, transpose_lhs_hint = false} : vector<1x128xf32>, vector<128x8xf32>, vector<1x8xf32> -> vector<1x8xf32>
      %get3A_498 = arith.constant 0 : index
      %get3A_499 = arith.constant 0 : index
      %get3A_500 = vector.load %arg33[%get3A_498, %get3A_499] : memref<1x8xf32, #tpu.memory_space<vmem>>, vector<1x8xf32>
      %add3A_501 = arith.addf %dot_general3A_497, %get3A_500 : vector<1x8xf32>
      %swap3A_502 = arith.index_cast %scan3A_129 : i32 to index
      %swap3A_503 = arith.constant 0 : index
      %swap3A_504 = vector.load %arg34[%swap3A_502, %swap3A_503] : memref<64x8xf32, #tpu.memory_space<vmem>>, vector<1x8xf32>
      tpu.vector_store %arg34[%swap3A_502, %swap3A_503], %add3A_501 {strides = array<i32>} : memref<64x8xf32, #tpu.memory_space<vmem>>, vector<1x8xf32>,
    }
    %scan3A_128 = arith.constant 64 : i32
    return
  }
}

</mosaic_0001>

<sc_bundles>
// kernel: kernel.11.cloned.1.call-start
scs
__scs_entry_jumppad:
0x0: {  	(pc) =	sbr.rel $0x88, $3  }
0x1: {  	(tag) =	ssettag $0x0;
	lr =	simm.s32 $0x1  }
0x2: {  	[smem:$0x3F74] =	sst lr;
	_ =	strace $0xD0000000  }
0x3: {  	_ = 	snop  }
0x4: {  	_ = 	snop  }
0x5: {  	_ = 	snop  }
0x6: {  	_ = 	snop  }
0x7: {  	_ = 	snop  }
__scs_overlays_trampoline_lowered:
0x8: {  	[smem:$0x3F83] =	sst s0  }
0x9: {  	[smem:$0x3F84] =	sst s1  }
0xa: {  	[smem:$0x3F85] =	sst s2  }
0xb: {  	[smem:$0x3F86] =	sst s3  }
0xc: {  	[smem:$0x3F87] =	sst s4  }
0xd: {  	[smem:$0x3F88] =	sst s5  }
0xe: {  	[smem:$0x3F89] =	sst s6  }
0xf: {  	[smem:$0x3F8A] =	sst s7  }
0x10: {  	[smem:$0x3F8B] =	sst s8  }
0x11: {  	[smem:$0x3F8C] =	sst s9;
	s0 =	simm.s32 @!p0 $0x0  }
0x12: {  	s1 =	sld [smem:$0x3F72];
	s0 =	simm.s32 @p0 $0x1  }
0x13: {  	[smem:$0x3F8D] =	sst s0;
	s0 =	simm.s32 @!p1 $0x0  }
0x14: {  	s2 =	sld [smem:$0x3F71];
	s0 =	simm.s32 @p1 $0x1  }
0x15: {  	[smem:$0x3F8E] =	sst s0;
	s0 =	simm.s32 @!p2 $0x0  }
0x16: {  	s3 =	sld [smem:$0x3FDB];
	s0 =	simm.s32 @p2 $0x1  }
0x17: {  	s4 =	simm.s32 $0x1BF5;
	[smem:$0x3F90] =	sst s0  }
0x18: {  	s0 =	sld [smem:$0x3F73];
	_ =	swait.ge [sflag:s4], $0x0  }
0x19: {  	s7 =	sld [smem:$0x3F74]  }
0x1a: {  	s8 =	sadd.s32 $0xFFFFE003, lr  }
0x1b: {  	s9 =	sadd.s32 $0xFFFFFEF7, lr;
	s5 =	simm.s32 $0xFFFFFFFF;
	p2 =	slt.u32 s8, $0xFFFFF086  }
0x1c: {  	p1 =	slt.u32 s9, $0xF7A;
	s5 =	simm.s32 @!p2 $0x0  }
0x1d: {  	s5 =	simm.s32 @p1 $0x1;
	p0 =	seq.s32 s7, s2  }
0x1e: {  	s7 =	smul.u32 @!p0 $0xF7A, s2;
	p2 =	seq.s32 @!p0 s5, $0x0  }
0x1f: {  	s9 =	smul.u32 $0xF7A, s1;
	s8 =	simm.s32 @!p0 $0x1BF5;
	p2 =	por !p2, p0  }
0x20: {  	[sflag:s8] =	ssyncset.s32 @!p0 $0xFFFFF086;
	s6 =	sadd.s32 @!p0 s3, s7;
	s7 =	simm.s32 @!p0 $0x108  }
0x21: {  	s3 =	sadd.s32 s3, s9;
	s6 =	sadd.s32 @!p0 $0x88, s6;
	s7 =	simm.s32 @p2 $0x1082  }
0x22: {  	[simem:s7], [sflag:s8] =	dma.local @!p0 [hbm:s6], $0xF7A  }
0x23: {  	s9 =	sor.u32 $0xD0000000, s2;
	s6 =	simm.s32 $0x108;
	_ =	swait.ge @!p0 [sflag:s8], $0x0  }
0x24: {  	s3 =	sadd.s32 $0x88, s3;
	s6 =	simm.s32 @!p1 $0x1082;
	[sflag:s4] =	ssyncset.s32 $0xFFFFF086  }
0x25: {  	[simem:s6], [sflag:s4] =	dma.local [hbm:s3], $0xF7A  }
0x26: {  	[smem:$0x3F74] =	sst s1;
	(tag) =	ssettag s2;
	_ =	strace s9  }
0x27: {  	s1 =	sld [smem:$0x3F84]  }
0x28: {  	s2 =	sld [smem:$0x3F85]  }
0x29: {  	s4 =	sld [smem:$0x3F87]  }
0x2a: {  	p0 =	seq.s32 s5, $0x0;
	s5 =	sld [smem:$0x3F88]  }
0x2b: {  	s6 =	sld [smem:$0x3F89]  }
0x2c: {  	s7 =	sld [smem:$0x3F8A]  }
0x2d: {  	s3 =	simm.s32 $0x108;
	s8 =	sld [smem:$0x3F8B]  }
0x2e: {  	s3 =	simm.s32 @!p0 $0x1082;
	s9 =	sld [smem:$0x3F8C]  }
0x2f: {  	lr =	sadd.s32 s0, s3;
	s0 =	sld [smem:$0x3F83]  }
0x30: {  	s3 =	sld [smem:$0x3F86]  }
0x31: {  	[smem:$0x3F8F] =	sst s10  }
0x32: {  	s10 =	sld [smem:$0x3F8D];
	_ =	sdelay $0x3  }
0x33: {  	p0 =	seq.s32 s10, $0x1;
	s10 =	sld [smem:$0x3F8F];
	_ =	sdelay $0x3  }
0x34: {  	[smem:$0x3F8F] =	sst s10  }
0x35: {  	s10 =	sld [smem:$0x3F8E];
	_ =	sdelay $0x3  }
0x36: {  	p1 =	seq.s32 s10, $0x1;
	s10 =	sld [smem:$0x3F8F];
	_ =	sdelay $0x3  }
0x37: {  	[smem:$0x3F8F] =	sst s10  }
0x38: {  	s10 =	sld [smem:$0x3F90]  }
0x39: {  	_ = 	snop;
	(pc) =	sbr.ind lr, $3  }
0x3a: {  	_ = 	snop  }
0x3b: {  	_ = 	snop  }
0x3c: {  	p2 =	seq.s32 s10, $0x1;
	s10 =	sld [smem:$0x3F8F]  }
0x3d: {  	_ =	shalt  }
0x3e: {  	_ =	shalt  }
0x3f: {  	_ =	shalt  }
0x40: {  	_ =	shalt  }
0x41: {  	_ =	shalt  }
0x42: {  	_ =	shalt  }
0x43: {  	_ =	shalt  }
0x44: {  	_ =	shalt  }
0x45: {  	_ =	shalt  }
0x46: {  	_ =	shalt  }
0x47: {  	_ =	shalt  }
0x48: {  	_ =	shalt  }
0x49: {  	_ =	shalt  }
0x4a: {  	_ =	shalt  }
0x4b: {  	_ =	shalt  }
0x4c: {  	_ =	shalt  }
0x4d: {  	_ =	shalt  }
0x4e: {  	_ =	shalt  }
0x4f: {  	_ =	shalt  }
0x50: {  	_ =	shalt  }
0x51: {  	_ =	shalt  }
0x52: {  	_ =	shalt  }
0x53: {  	_ =	shalt  }
0x54: {  	_ =	shalt  }
0x55: {  	_ =	shalt  }
0x56: {  	_ =	shalt  }
0x57: {  	_ =	shalt  }
0x58: {  	_ =	shalt  }
0x59: {  	_ =	shalt  }
0x5a: {  	_ =	shalt  }
0x5b: {  	_ =	shalt  }
0x5c: {  	_ =	shalt  }
0x5d: {  	_ =	shalt  }
0x5e: {  	_ =	shalt  }
0x5f: {  	_ =	shalt  }
0x60: {  	_ =	shalt  }
0x61: {  	_ =	shalt  }
0x62: {  	_ =	shalt  }
0x63: {  	_ =	shalt  }
0x64: {  	_ =	shalt  }
0x65: {  	_ =	shalt  }
0x66: {  	_ =	shalt  }
0x67: {  	_ =	shalt  }
0x68: {  	_ =	shalt  }
0x69: {  	_ =	shalt  }
0x6a: {  	_ =	shalt  }
0x6b: {  	_ =	shalt  }
0x6c: {  	_ =	shalt  }
0x6d: {  	_ =	shalt  }
0x6e: {  	_ =	shalt  }
0x6f: {  	_ =	shalt  }
0x70: {  	_ =	shalt  }
0x71: {  	_ =	shalt  }
0x72: {  	_ =	shalt  }
0x73: {  	_ =	shalt  }
0x74: {  	_ =	shalt  }
0x75: {  	_ =	shalt  }
0x76: {  	_ =	shalt  }
0x77: {  	_ =	shalt  }
0x78: {  	_ =	shalt  }
0x79: {  	_ =	shalt  }
0x7a: {  	_ =	shalt  }
0x7b: {  	_ =	shalt  }
0x7c: {  	_ =	shalt  }
0x7d: {  	_ =	shalt  }
0x7e: {  	_ =	shalt  }
0x7f: {  	_ =	shalt  }
0x80: {  	_ =	shalt  }
0x81: {  	_ =	shalt  }
0x82: {  	_ =	shalt  }
0x83: {  	_ =	shalt  }
0x84: {  	_ =	shalt  }
0x85: {  	_ =	shalt  }
0x86: {  	_ =	shalt  }
0x87: {  	_ =	shalt  }
.Lfunc_end0:
.L_simem_size_0:
called_computation.1_lowered:
.L_overlay_start_0:
0x88: {  	s2 =	sld [smem:$0x3FD9]  }
0x89: {  	s3 =	sld [smem:$0x3FFE];
	_ =	sdelay $0x1  }
0x8a: {  	s1 =	srdreg.scid  }
0x8b: {  	s0 =	sand.u32 $0x1, s1  }
0x8c: {  	s16 =	sshll.u32 s0, $0xA;
	s2 =	sadd.s32 s3, s2  }
0x8d: {  	s2 =	sadd.s32 s2, s16  }
0x8e: {  	[smem:$0x3F9B] =	sst s2  }
0x8f: {  	_ = 	snop  }
0x90: {  	(tm) =	ssettm $0x1  }
0x91: {  	s17 =	sld [smem:$0x3FFB];
	_ =	sdelay $0x3  }
0x92: {  	_ =	strace s17  }
0x93: {  	s2 =	sld [smem:$0x3FFC];
	_ =	sdelay $0x3  }
0x94: {  	_ =	strace s2  }
0x95: {  	s2 =	sld [smem:$0x3FFD];
	_ =	sdelay $0x3  }
0x96: {  	_ =	strace s2  }
0x97: {  	_ =	strace $0x8FFFFFFF  }
0x98: {  	s18 =	sld [smem:$0x3FDB];
	_ =	sdelay $0x1  }
0x99: {  	s19 =	simm.s32 $_scs_section_size  }
0x9a: {  	s4 =	simm.s32 $_size__tile_overlayer_lowered;
	s5 =	simm.s32 $_tile_overlayer_lowered  }
0x9b: {  	s22 =	simm.s32 $0x1BFF;
	s21 =	sshll.u32 s5, $0x1;
	s2 =	sadd.s32 s19, s18  }
0x9c: {  	s6 =	simm.s32 $0x0;
	s20 =	sshll.u32 s4, $0x1;
	s4 =	sadd.s32 s21, s2  }
0x9d: {  	[timem:s6], [sflag:s22] =	dma.local [hbm:s4], s20  }
0x9e: {  	_ =	swait.ge [sflag:s22], s20  }
0x9f: {  	s3 =	ssub.s32 $0x0, s20;
	[sflag:s22] =	ssyncset.done $0x0  }
0xa0: {  	[sflag:s22] =	ssyncadd.s32 s3;
	_ =	sdelay $0x1  }
0xa1: {  	s23 =	simm.s32 $0x1B8B  }
0xa2: {  	_ =	swait.ge [sflag:s23], $0x1  }
0xa3: {  	[sflag:s23] =	ssyncset.done $0x0  }
0xa4: {  	s25 =	simm.s32 $0x1B8E;
	s24 =	sld [smem:$0x3FFE];
	[sflag:s23] =	ssyncadd.s32 $0xFFFFFFFF  }
0xa5: {  	s26 =	simm.s32 $execute0_lowered;
	[smem:$0x3FD2] =	sst s25  }
0xa6: {  	s4 =	sshll.u32 s26, $0x1;
	_ =	strace $0x80000049;
	[dreg:$0x1] =	wrdreg $0xFFFFFFFF  }
0xa7: {  	s28 =	simm.s32 $_size_execute0_lowered;
	s2 =	sadd.s32 s2, s4;
	[dreg:$0x0] =	wrdreg $0x0  }
0xa8: {  	s4 =	sshll.u32 s28, $0x1;
	[dreg:$0x2] =	wrdreg s2  }
0xa9: {  	[dreg:$0x3] =	wrdreg s4  }
0xaa: {  	[dreg:$0x4] =	wrdreg $0xC0  }
0xab: {  	_ =	task [dreg:s6], $0x5FFFF  }
0xac: {  	[dreg:$0x1] =	wrdreg $0xFFFFFFFF  }
0xad: {  	[dreg:$0x0] =	wrdreg $0x60  }
0xae: {  	[dreg:$0x2] =	wrdreg s24  }
0xaf: {  	[dreg:$0x3] =	wrdreg $0xA8000  }
0xb0: {  	[dreg:$0x4] =	wrdreg $0x9  }
0xb1: {  	_ =	task.clear_ibuf [dreg:s6], $0x5FFFF;
	_ =	strace $0x90000049  }
0xb2: {  	s29 =	simm.s32 $0x9;
	_ =	strace $0x8000004B  }
0xb3: {  	_ =	swait.ge [sflag:s29], $0x1  }
0xb4: {  	[sflag:s29] =	ssyncadd.s32 $0xFFFFFFFF  }
0xb5: {  	_ =	strace $0x9000004B  }
0xb6: {  	_ =	sfence  }
0xb7: {  	s30 =	sld [smem:$0x0];
	_ =	sdelay $0x2  }
0xb8: {  	s31 =	sshll.u32 s1, $0xD;
	s1 =	sshrl.u32 s1, $0x2  }
0xb9: {  	s3 =	sand.u32 $0x4000, s31;
	s1 =	sadd.s32 s1, s30  }
0xba: {  	s0 =	sor.u32 s3, s0;
	s1 =	sshll.u32 s1, $0x11  }
0xbb: {  	s0 =	sor.u32 s1, s0  }
0xbc: {  	s0 =	sadd.s32 $0x8F2B, s0  }
0xbd: {  	[sflag:s0] =	ssyncadd.remote.s32 $0x1  }
0xbe: {  	_ =	sfence.sel $0xFFFF  }
0xbf: {  	[dreg:$0x0] =	wrdreg $0xFFFFFFFF;
	(pc) =	sbr.abs _section_cstart, $3  }
0xc0: {  	[dreg:$0x1] =	wrdreg $0xFFFFFFFF  }
0xc1: {  	_ =	task.clear_ibuf [dreg:s6], $0x2FFFF;
	_ =	strace $0x9FFFFFFF  }
0xc2: {  	(tm) =	ssettm $0x7FFFFFFF  }
0xc3: {  	_ =	shalt  }
tec
execute0_lowered:
.L_overlay_start_1:
0x0: {  	(tag) =	ssettag $0x1  }
0x1: {  	s6 =	rddreg [dreg:$0x0]  }
0x2: {  	s1 =	rddreg [dreg:$0x1]  }
0x3: {  	s0 =	rddreg [dreg:$0x2]  }
0x4: {  	s2 =	simm.s32 $0x0;
	s5 =	srdreg.scid;
	s3 =	stileid.u32  }
0x5: {  	s15 =	simm.s32 $0x1400;
	s16 =	simm.s32 $0x80;
	s17 =	simm.s32 $0x2800  }
0x6: {  	s18 =	simm.s32 $0x6800;
	s19 =	simm.s32 $0x1;
	s20 =	simm.s32 $0x2  }
0x7: {  	s21 =	simm.s32 $0x1380;
	s22 =	simm.s32 $0x2700;
	s23 =	simm.s32 $0x2780  }
0x8: {  	[smem:$0x7FF] =	sst s2;
	s4 =	sadd.s32 $0x2F000, s6;
	s9 =	sadd.s32 $0x25000, s6  }
0x9: {  	s5 =	sand.u32 $0x1, s5;
	s7 =	smul.u32 $0x2800, s3;
	s10 =	sadd.s32 $0x1B000, s6  }
0xa: {  	s11 =	sshll.u32 s3, $0x1;
	s24 =	smul.u32 $0x50000, s3;
	s28 =	sshll.u32 s3, $0x6  }
0xb: {  	s8 =	smul.u32 $0x28000, s5;
	s12 =	ssub.s32 $0x2, s5;
	s5 =	sor.u32 s5, s11  }
0xc: {  	_ =	strace $0x8000004A;
	s25 =	sshrl.u32 s12, $0x1;
	s13 =	smul.u32 $0x2800, s5  }
0xd: {  	s5 =	sadd.s32 $0x6C00, s6;
	s26 =	sshrl.u32 s24, $0x2;
	s24 =	simm.s32 $0x0  }
0xe: {  	s7 =	sadd.s32 s7, s8;
	s12 =	ssub.s32 s12, s25;
	s30 =	sadd.s32 s26, s1  }
0xf: {  	s14 =	sadd.s32 s7, s6;
	s29 =	sshrl.u32 s13, $0x3;
	s6 =	sor.u32 $0x1C03, s28  }
0x10: {  	s12 =	smax.u32 s12, $0x1;
	s13 =	sshrl.u32 s30, $0x3;
	s31 =	sadd.s32 $0x280, s29  }
0x11: {  	s7 =	sadd.s32 s9, s29;
	s8 =	sadd.s32 s10, s29;
	s11 =	sadd.s32 $0x57000, s14  }
0x12: {  	s14 =	simm.s32 $0x3;
	s9 =	sadd.s32 s9, s31;
	s10 =	sadd.s32 s10, s31  }
.LBB2_1:
0x13: {  	[spmem:s13], [sflag:s6] =	dma.local [hbm:s5], $0x2800  }
0x14: {  	_ =	swait.ge [sflag:s14], $0x2800  }
0x15: {  	[sflag:s14] =	ssyncset.done $0x0  }
0x16: {  	[sflag:s14] =	ssyncadd.s32 $0xFFFFD800  }
0x17: {  	[bflag:$0x0] =	sbarrier.arrive $0xFFFF  }
0x18: {  	[tilespmem:s2], [sflag:$0x3] =	stream.linear.gather [hbm4b:s7+s2], $0x1400, $0x38;
	[tilespmem:$0x1E800] =	vst v63  }
0x19: {  	_ =	swait.ge [sflag:s14], $0x1400  }
0x1a: {  	[sflag:s14] =	ssyncset.done $0x0  }
0x1b: {  	[sflag:s14] =	ssyncadd.s32 $0xFFFFEC00  }
0x1c: {  	[tilespmem:s15], [sflag:$0x3] =	stream.linear.gather [hbm4b:s8+s2], $0x1400, $0x38;
	[tilespmem:$0x1E800] =	vst v63  }
0x1d: {  	_ =	swait.ge [sflag:s14], $0x1400  }
0x1e: {  	[sflag:s14] =	ssyncset.done $0x0  }
0x1f: {  	[sflag:s14] =	ssyncadd.s32 $0xFFFFEC00  }
0x20: {  	[tilespmem:s17], [sflag:$0x1] =	stream.indirect.gather [hbm4b:s4+s16], $0x80, s2, s16, $0xb8;
	[tilespmem:$0x1E800] =	vst v63  }
0x21: {  	s25 =	simm.s32 $0x80  }
0x22: {  	[tilespmem:s18], [sflag:$0x2] =	stream.indirect.gather [hbm4b:s4+s16], $0x80, s25, s16, $0xb8;
	[tilespmem:$0x1E800] =	vst v63  }
0x23: {  	_ =	swait.ge [sflag:s19], $0x4000  }
0x24: {  	[sflag:s19] =	ssyncset.done $0x0  }
0x25: {  	s29 =	simm.s32 $0x1400;
	[sflag:s19] =	ssyncadd.s32 $0xFFFFC000  }
0x26: {  	[spmem:s1] =	stream.indirect.scatter.add.f32 [tilespmem:s17], [sflag:$0x3], $0x80, s29, s16, $0xb8;
	[tilespmem:$0x1E800] =	vst v63  }
0x27: {  	_ =	swait.ge [sflag:s14], $0x4000  }
0x28: {  	[sflag:s14] =	ssyncset.done $0x0  }
0x29: {  	s30 =	simm.s32 $0x100;
	[sflag:s14] =	ssyncadd.s32 $0xFFFFC000  }
0x2a: {  	[tilespmem:s17], [sflag:$0x1] =	stream.indirect.gather [hbm4b:s4+s16], $0x80, s30, s16, $0xb8;
	[tilespmem:$0x1E800] =	vst v63  }
0x2b: {  	_ =	swait.ge [sflag:s20], $0x4000  }
0x2c: {  	[sflag:s20] =	ssyncset.done $0x0  }
0x2d: {  	s31 =	simm.s32 $0x1480;
	[sflag:s20] =	ssyncadd.s32 $0xFFFFC000  }
0x2e: {  	[spmem:s1] =	stream.indirect.scatter.add.f32 [tilespmem:s18], [sflag:$0x3], $0x80, s31, s16, $0xb8;
	[tilespmem:$0x1E800] =	vst v63  }
0x2f: {  	_ =	swait.ge [sflag:s14], $0x4000  }
0x30: {  	s26 =	simm.s32 $0x800;
	s25 =	simm.s32 $0x100;
	[sflag:s14] =	ssyncset.done $0x0  }
.LBB2_2:
0x31: {  	s28 =	sadd.s32 $0x80, s25  }
0x32: {  	[sflag:s14] =	ssyncadd.s32 $0xFFFFC000;
	s29 =	smov.u32 s26;
	s30 =	sadd.s32 $0x400, s26  }
0x33: {  	[tilespmem:s18], [sflag:$0x2] =	stream.indirect.gather [hbm4b:s4+s16], $0x80, s28, s16, $0xb8;
	[tilespmem:$0x1E800] =	vst v63  }
0x34: {  	p0 =	sne.s32 s26, $0x4800;
	_ =	swait.ge [sflag:s19], $0x4000  }
0x35: {  	[sflag:s19] =	ssyncset.done $0x0  }
0x36: {  	s26 =	sadd.s32 $0x1400, s25;
	[sflag:s19] =	ssyncadd.s32 $0xFFFFC000  }
0x37: {  	[spmem:s1] =	stream.indirect.scatter.add.f32 [tilespmem:s17], [sflag:$0x3], $0x80, s26, s16, $0xb8;
	[tilespmem:$0x1E800] =	vst v63  }
0x38: {  	_ =	swait.ge [sflag:s14], $0x4000  }
0x39: {  	[sflag:s14] =	ssyncset.done $0x0  }
0x3a: {  	s26 =	sadd.s32 $0x100, s25;
	[sflag:s14] =	ssyncadd.s32 $0xFFFFC000  }
0x3b: {  	[tilespmem:s17], [sflag:$0x1] =	stream.indirect.gather [hbm4b:s4+s16], $0x80, s26, s16, $0xb8;
	[tilespmem:$0x1E800] =	vst v63  }
0x3c: {  	_ =	swait.ge [sflag:s20], $0x4000  }
.Ltmp0:
0x3d: {  	[sflag:s20] =	ssyncset.done $0x0;
	(pc) =	sbr.rel @p0 .LBB2_2-.Ltmp0, $4  }
0x3e: {  	s25 =	sadd.s32 $0x1480, s25;
	[sflag:s20] =	ssyncadd.s32 $0xFFFFC000  }
0x3f: {  	[spmem:s1] =	stream.indirect.scatter.add.f32 [tilespmem:s18], [sflag:$0x3], $0x80, s25, s16, $0xb8;
	[tilespmem:$0x1E800] =	vst v63  }
0x40: {  	_ =	swait.ge [sflag:s14], $0x4000  }
0x41: {  	s26 =	smov.u32 s30;
	s25 =	sshra.s32 s29, $0x2;
	[sflag:s14] =	ssyncset.done $0x0  }
0x42: {  	s26 =	sadd.s32 $0x80, s25;
	[sflag:s14] =	ssyncadd.s32 $0xFFFFC000  }
0x43: {  	[tilespmem:s18], [sflag:$0x2] =	stream.indirect.gather [hbm4b:s4+s16], $0x80, s26, s16, $0xb8;
	[tilespmem:$0x1E800] =	vst v63  }
0x44: {  	_ =	swait.ge [sflag:s19], $0x4000  }
0x45: {  	[sflag:s19] =	ssyncset.done $0x0  }
0x46: {  	s29 =	sadd.s32 $0x1400, s25;
	[sflag:s19] =	ssyncadd.s32 $0xFFFFC000  }
0x47: {  	[spmem:s1] =	stream.indirect.scatter.add.f32 [tilespmem:s17], [sflag:$0x3], $0x80, s29, s16, $0xb8;
	[tilespmem:$0x1E800] =	vst v63  }
0x48: {  	_ =	swait.ge [sflag:s14], $0x4000  }
0x49: {  	[sflag:s14] =	ssyncset.done $0x0  }
0x4a: {  	s30 =	sadd.s32 $0x100, s25;
	[sflag:s14] =	ssyncadd.s32 $0xFFFFC000  }
0x4b: {  	[tilespmem:s17], [sflag:$0x1] =	stream.indirect.gather [hbm4b:s4+s16], $0x80, s30, s16, $0xb8;
	[tilespmem:$0x1E800] =	vst v63  }
0x4c: {  	_ =	swait.ge [sflag:s20], $0x4000  }
0x4d: {  	[sflag:s20] =	ssyncset.done $0x0  }
0x4e: {  	s31 =	sadd.s32 $0x1480, s25;
	[sflag:s20] =	ssyncadd.s32 $0xFFFFC000  }
0x4f: {  	[spmem:s1] =	stream.indirect.scatter.add.f32 [tilespmem:s18], [sflag:$0x3], $0x80, s31, s16, $0xb8;
	[tilespmem:$0x1E800] =	vst v63  }
0x50: {  	_ =	swait.ge [sflag:s14], $0x4000  }
0x51: {  	[sflag:s14] =	ssyncset.done $0x0  }
0x52: {  	[sflag:s14] =	ssyncadd.s32 $0xFFFFC000  }
0x53: {  	[tilespmem:s18], [sflag:$0x2] =	stream.indirect.gather [hbm4b:s4+s16], $0x80, s21, s16, $0xb8;
	[tilespmem:$0x1E800] =	vst v63  }
0x54: {  	_ =	swait.ge [sflag:s19], $0x4000  }
0x55: {  	[sflag:s19] =	ssyncset.done $0x0  }
0x56: {  	[sflag:s19] =	ssyncadd.s32 $0xFFFFC000  }
0x57: {  	[spmem:s1] =	stream.indirect.scatter.add.f32 [tilespmem:s17], [sflag:$0x3], $0x80, s22, s16, $0xb8;
	[tilespmem:$0x1E800] =	vst v63  }
0x58: {  	_ =	swait.ge [sflag:s14], $0x4000  }
0x59: {  	[sflag:s14] =	ssyncset.done $0x0  }
0x5a: {  	[sflag:s14] =	ssyncadd.s32 $0xFFFFC000  }
0x5b: {  	_ =	swait.ge [sflag:s20], $0x4000  }
0x5c: {  	[sflag:s20] =	ssyncset.done $0x0  }
0x5d: {  	[sflag:s20] =	ssyncadd.s32 $0xFFFFC000  }
0x5e: {  	[spmem:s1] =	stream.indirect.scatter.add.f32 [tilespmem:s18], [sflag:$0x3], $0x80, s23, s16, $0xb8;
	[tilespmem:$0x1E800] =	vst v63  }
0x5f: {  	_ =	swait.ge [sflag:s14], $0x4000  }
0x60: {  	[sflag:s14] =	ssyncset.done $0x0  }
0x61: {  	s26 =	simm.s32 $0x0;
	[sflag:s14] =	ssyncadd.s32 $0xFFFFC000  }
0x62: {  	[tilespmem:s26], [sflag:$0x3] =	stream.linear.gather [hbm4b:s9+s26], $0x1400, $0x38;
	[tilespmem:$0x1E800] =	vst v63  }
0x63: {  	_ =	swait.ge [sflag:s14], $0x1400  }
0x64: {  	[sflag:s14] =	ssyncset.done $0x0  }
0x65: {  	[sflag:s14] =	ssyncadd.s32 $0xFFFFEC00  }
0x66: {  	[tilespmem:s15], [sflag:$0x3] =	stream.linear.gather [hbm4b:s10+s26], $0x1400, $0x38;
	[tilespmem:$0x1E800] =	vst v63  }
0x67: {  	_ =	swait.ge [sflag:s14], $0x1400  }
0x68: {  	[sflag:s14] =	ssyncset.done $0x0  }
0x69: {  	[sflag:s14] =	ssyncadd.s32 $0xFFFFEC00  }
0x6a: {  	[tilespmem:s17], [sflag:$0x1] =	stream.indirect.gather [hbm4b:s4+s16], $0x80, s26, s16, $0xb8;
	[tilespmem:$0x1E800] =	vst v63  }
0x6b: {  	s28 =	simm.s32 $0x80  }
0x6c: {  	[tilespmem:s18], [sflag:$0x2] =	stream.indirect.gather [hbm4b:s4+s16], $0x80, s28, s16, $0xb8;
	[tilespmem:$0x1E800] =	vst v63  }
0x6d: {  	_ =	swait.ge [sflag:s19], $0x4000  }
0x6e: {  	[sflag:s19] =	ssyncset.done $0x0  }
0x6f: {  	s29 =	simm.s32 $0x1400;
	[sflag:s19] =	ssyncadd.s32 $0xFFFFC000  }
0x70: {  	[spmem:s1] =	stream.indirect.scatter.add.f32 [tilespmem:s17], [sflag:$0x3], $0x80, s29, s16, $0xb8;
	[tilespmem:$0x1E800] =	vst v63  }
0x71: {  	_ =	swait.ge [sflag:s14], $0x4000  }
0x72: {  	[sflag:s14] =	ssyncset.done $0x0  }
0x73: {  	s30 =	simm.s32 $0x100;
	[sflag:s14] =	ssyncadd.s32 $0xFFFFC000  }
0x74: {  	[tilespmem:s17], [sflag:$0x1] =	stream.indirect.gather [hbm4b:s4+s16], $0x80, s30, s16, $0xb8;
	[tilespmem:$0x1E800] =	vst v63  }
0x75: {  	_ =	swait.ge [sflag:s20], $0x4000  }
0x76: {  	[sflag:s20] =	ssyncset.done $0x0  }
0x77: {  	s31 =	simm.s32 $0x1480;
	[sflag:s20] =	ssyncadd.s32 $0xFFFFC000  }
0x78: {  	[spmem:s1] =	stream.indirect.scatter.add.f32 [tilespmem:s18], [sflag:$0x3], $0x80, s31, s16, $0xb8;
	[tilespmem:$0x1E800] =	vst v63  }
0x79: {  	_ =	swait.ge [sflag:s14], $0x4000  }
0x7a: {  	s25 =	simm.s32 $0x100;
	s26 =	simm.s32 $0x800;
	[sflag:s14] =	ssyncset.done $0x0  }
.LBB2_4:
0x7b: {  	s28 =	sadd.s32 $0x80, s25  }
0x7c: {  	[sflag:s14] =	ssyncadd.s32 $0xFFFFC000;
	s29 =	smov.u32 s26;
	s30 =	sadd.s32 $0x400, s26  }
0x7d: {  	[tilespmem:s18], [sflag:$0x2] =	stream.indirect.gather [hbm4b:s4+s16], $0x80, s28, s16, $0xb8;
	[tilespmem:$0x1E800] =	vst v63  }
0x7e: {  	p0 =	sne.s32 s26, $0x4800;
	_ =	swait.ge [sflag:s19], $0x4000  }
0x7f: {  	[sflag:s19] =	ssyncset.done $0x0  }
0x80: {  	s26 =	sadd.s32 $0x1400, s25;
	[sflag:s19] =	ssyncadd.s32 $0xFFFFC000  }
0x81: {  	[spmem:s1] =	stream.indirect.scatter.add.f32 [tilespmem:s17], [sflag:$0x3], $0x80, s26, s16, $0xb8;
	[tilespmem:$0x1E800] =	vst v63  }
0x82: {  	_ =	swait.ge [sflag:s14], $0x4000  }
0x83: {  	[sflag:s14] =	ssyncset.done $0x0  }
0x84: {  	s26 =	sadd.s32 $0x100, s25;
	[sflag:s14] =	ssyncadd.s32 $0xFFFFC000  }
0x85: {  	[tilespmem:s17], [sflag:$0x1] =	stream.indirect.gather [hbm4b:s4+s16], $0x80, s26, s16, $0xb8;
	[tilespmem:$0x1E800] =	vst v63  }
0x86: {  	_ =	swait.ge [sflag:s20], $0x4000  }
.Ltmp1:
0x87: {  	[sflag:s20] =	ssyncset.done $0x0;
	(pc) =	sbr.rel @p0 .LBB2_4-.Ltmp1, $4  }
0x88: {  	s25 =	sadd.s32 $0x1480, s25;
	[sflag:s20] =	ssyncadd.s32 $0xFFFFC000  }
0x89: {  	[spmem:s1] =	stream.indirect.scatter.add.f32 [tilespmem:s18], [sflag:$0x3], $0x80, s25, s16, $0xb8;
	[tilespmem:$0x1E800] =	vst v63  }
0x8a: {  	_ =	swait.ge [sflag:s14], $0x4000  }
0x8b: {  	s26 =	smov.u32 s30;
	s25 =	sshra.s32 s29, $0x2;
	[sflag:s14] =	ssyncset.done $0x0  }
0x8c: {  	s26 =	sadd.s32 $0x80, s25;
	[sflag:s14] =	ssyncadd.s32 $0xFFFFC000  }
0x8d: {  	[tilespmem:s18], [sflag:$0x2] =	stream.indirect.gather [hbm4b:s4+s16], $0x80, s26, s16, $0xb8;
	[tilespmem:$0x1E800] =	vst v63  }
0x8e: {  	_ =	swait.ge [sflag:s19], $0x4000  }
0x8f: {  	[sflag:s19] =	ssyncset.done $0x0  }
0x90: {  	s29 =	sadd.s32 $0x1400, s25;
	[sflag:s19] =	ssyncadd.s32 $0xFFFFC000  }
0x91: {  	[spmem:s1] =	stream.indirect.scatter.add.f32 [tilespmem:s17], [sflag:$0x3], $0x80, s29, s16, $0xb8;
	[tilespmem:$0x1E800] =	vst v63  }
0x92: {  	_ =	swait.ge [sflag:s14], $0x4000  }
0x93: {  	[sflag:s14] =	ssyncset.done $0x0  }
0x94: {  	s30 =	sadd.s32 $0x100, s25;
	[sflag:s14] =	ssyncadd.s32 $0xFFFFC000  }
0x95: {  	[tilespmem:s17], [sflag:$0x1] =	stream.indirect.gather [hbm4b:s4+s16], $0x80, s30, s16, $0xb8;
	[tilespmem:$0x1E800] =	vst v63  }
0x96: {  	_ =	swait.ge [sflag:s20], $0x4000  }
0x97: {  	[sflag:s20] =	ssyncset.done $0x0  }
0x98: {  	s31 =	sadd.s32 $0x1480, s25;
	[sflag:s20] =	ssyncadd.s32 $0xFFFFC000  }
0x99: {  	[spmem:s1] =	stream.indirect.scatter.add.f32 [tilespmem:s18], [sflag:$0x3], $0x80, s31, s16, $0xb8;
	[tilespmem:$0x1E800] =	vst v63  }
0x9a: {  	_ =	swait.ge [sflag:s14], $0x4000  }
0x9b: {  	[sflag:s14] =	ssyncset.done $0x0  }
0x9c: {  	[sflag:s14] =	ssyncadd.s32 $0xFFFFC000  }
0x9d: {  	[tilespmem:s18], [sflag:$0x2] =	stream.indirect.gather [hbm4b:s4+s16], $0x80, s21, s16, $0xb8;
	[tilespmem:$0x1E800] =	vst v63  }
0x9e: {  	_ =	swait.ge [sflag:s19], $0x4000  }
0x9f: {  	[sflag:s19] =	ssyncset.done $0x0  }
0xa0: {  	[sflag:s19] =	ssyncadd.s32 $0xFFFFC000  }
0xa1: {  	[spmem:s1] =	stream.indirect.scatter.add.f32 [tilespmem:s17], [sflag:$0x3], $0x80, s22, s16, $0xb8;
	[tilespmem:$0x1E800] =	vst v63  }
0xa2: {  	_ =	swait.ge [sflag:s14], $0x4000  }
0xa3: {  	[sflag:s14] =	ssyncset.done $0x0  }
0xa4: {  	[sflag:s14] =	ssyncadd.s32 $0xFFFFC000  }
0xa5: {  	_ =	swait.ge [sflag:s20], $0x4000  }
0xa6: {  	[sflag:s20] =	ssyncset.done $0x0  }
0xa7: {  	[sflag:s20] =	ssyncadd.s32 $0xFFFFC000  }
0xa8: {  	[spmem:s1] =	stream.indirect.scatter.add.f32 [tilespmem:s18], [sflag:$0x3], $0x80, s23, s16, $0xb8;
	[tilespmem:$0x1E800] =	vst v63  }
0xa9: {  	_ =	swait.ge [sflag:s14], $0x4000  }
0xaa: {  	s24 =	sadd.s32 $0x1, s24;
	[sflag:s14] =	ssyncset.done $0x0  }
0xab: {  	p0 =	sne.s32 s24, s12;
	[sflag:s14] =	ssyncadd.s32 $0xFFFFC000  }
.Ltmp2:
0xac: {  	[bflag:$0x0] =	sbarrier.arrive $0xFFFF;
	(pc) =	sbr.rel @p0 .LBB2_1-.Ltmp2, $4  }
0xad: {  	[hbm:s11], [sflag:s6] =	dma.local [spmem:s13], $0x2800  }
0xae: {  	_ =	swait.ge [sflag:s14], $0x2800  }
0xaf: {  	[sflag:s14] =	ssyncset.done $0x0  }
0xb0: {  	[sflag:s14] =	ssyncadd.s32 $0xFFFFD800  }
0xb1: {  	_ =	sfence.sel $0x180000  }
0xb2: {  	[bflag:$0x0] =	sbarrier.arrive $0xFFFF  }
0xb3: {  	p0 =	sne.s32 s3, $0x0;
	_ =	strace $0x9000004A  }
0xb4: {  	s0 =	sadd.s32 @!p0 $0x100000, s0;
	[bflag:$0x2] =	sbarrier.arrive $0xFFFF  }
0xb5: {  	[sflag:s0] =	ssyncadd.tile.s32 @!p0 $0x1;
	_ =	shalt  }
.Lfunc_end2:
_tile_overlayer_lowered:
.L_overlay_start_2:
0xb6: {  	(tag) =	ssettag $0x2  }
0xb7: {  	s0 =	rddreg [dreg:$0x0];
	s2 =	stileid.u32  }
0xb8: {  	s1 =	rddreg [dreg:$0x1];
	p0 =	sne.s32 s2, $0x0  }
0xb9: {  	s3 =	rddreg [dreg:$0x2];
	[bflag:$0x3] =	sbarrier.arrive $0xFFFF;
	s2 =	simm.s32 @!p0 $0x1C03  }
0xba: {  	[timem:s3], [sflag:s2] =	dma.local @!p0 [hbm:s0], s1  }
0xbb: {  	s0 =	simm.s32 @!p0 $0x3  }
0xbc: {  	_ =	swait.ge @!p0 [sflag:s0], s1  }
0xbd: {  	s1 =	ssub.s32 @!p0 $0x0, s1;
	[sflag:s0] =	ssyncset.done @!p0 $0x0  }
0xbe: {  	[sflag:s0] =	ssyncadd.s32 @!p0 s1  }
0xbf: {  	[bflag:$0x3] =	sbarrier.arrive $0xFFFF  }
0xc0: {  	_ =	shalt  }

// kernel: kernel.8.cloned.1.call-start
scs
__scs_entry_jumppad:
0x0: {  	(pc) =	sbr.rel $0x88, $3  }
0x1: {  	(tag) =	ssettag $0x0;
	lr =	simm.s32 $0x1  }
0x2: {  	[smem:$0x3F74] =	sst lr;
	_ =	strace $0xD0000000  }
0x3: {  	_ = 	snop  }
0x4: {  	_ = 	snop  }
0x5: {  	_ = 	snop  }
0x6: {  	_ = 	snop  }
0x7: {  	_ = 	snop  }
__scs_overlays_trampoline_lowered:
0x8: {  	[smem:$0x3F83] =	sst s0  }
0x9: {  	[smem:$0x3F84] =	sst s1  }
0xa: {  	[smem:$0x3F85] =	sst s2  }
0xb: {  	[smem:$0x3F86] =	sst s3  }
0xc: {  	[smem:$0x3F87] =	sst s4  }
0xd: {  	[smem:$0x3F88] =	sst s5  }
0xe: {  	[smem:$0x3F89] =	sst s6  }
0xf: {  	[smem:$0x3F8A] =	sst s7  }
0x10: {  	[smem:$0x3F8B] =	sst s8  }
0x11: {  	[smem:$0x3F8C] =	sst s9;
	s0 =	simm.s32 @!p0 $0x0  }
0x12: {  	s1 =	sld [smem:$0x3F72];
	s0 =	simm.s32 @p0 $0x1  }
0x13: {  	[smem:$0x3F8D] =	sst s0;
	s0 =	simm.s32 @!p1 $0x0  }
0x14: {  	s2 =	sld [smem:$0x3F71];
	s0 =	simm.s32 @p1 $0x1  }
0x15: {  	[smem:$0x3F8E] =	sst s0;
	s0 =	simm.s32 @!p2 $0x0  }
0x16: {  	s3 =	sld [smem:$0x3FDB];
	s0 =	simm.s32 @p2 $0x1  }
0x17: {  	s4 =	simm.s32 $0x1BF5;
	[smem:$0x3F90] =	sst s0  }
0x18: {  	s0 =	sld [smem:$0x3F73];
	_ =	swait.ge [sflag:s4], $0x0  }
0x19: {  	s7 =	sld [smem:$0x3F74]  }
0x1a: {  	s8 =	sadd.s32 $0xFFFFE003, lr  }
0x1b: {  	s9 =	sadd.s32 $0xFFFFFEF7, lr;
	s5 =	simm.s32 $0xFFFFFFFF;
	p2 =	slt.u32 s8, $0xFFFFF086  }
0x1c: {  	p1 =	slt.u32 s9, $0xF7A;
	s5 =	simm.s32 @!p2 $0x0  }
0x1d: {  	s5 =	simm.s32 @p1 $0x1;
	p0 =	seq.s32 s7, s2  }
0x1e: {  	s7 =	smul.u32 @!p0 $0xF7A, s2;
	p2 =	seq.s32 @!p0 s5, $0x0  }
0x1f: {  	s9 =	smul.u32 $0xF7A, s1;
	s8 =	simm.s32 @!p0 $0x1BF5;
	p2 =	por !p2, p0  }
0x20: {  	[sflag:s8] =	ssyncset.s32 @!p0 $0xFFFFF086;
	s6 =	sadd.s32 @!p0 s3, s7;
	s7 =	simm.s32 @!p0 $0x108  }
0x21: {  	s3 =	sadd.s32 s3, s9;
	s6 =	sadd.s32 @!p0 $0x88, s6;
	s7 =	simm.s32 @p2 $0x1082  }
0x22: {  	[simem:s7], [sflag:s8] =	dma.local @!p0 [hbm:s6], $0xF7A  }
0x23: {  	s9 =	sor.u32 $0xD0000000, s2;
	s6 =	simm.s32 $0x108;
	_ =	swait.ge @!p0 [sflag:s8], $0x0  }
0x24: {  	s3 =	sadd.s32 $0x88, s3;
	s6 =	simm.s32 @!p1 $0x1082;
	[sflag:s4] =	ssyncset.s32 $0xFFFFF086  }
0x25: {  	[simem:s6], [sflag:s4] =	dma.local [hbm:s3], $0xF7A  }
0x26: {  	[smem:$0x3F74] =	sst s1;
	(tag) =	ssettag s2;
	_ =	strace s9  }
0x27: {  	s1 =	sld [smem:$0x3F84]  }
0x28: {  	s2 =	sld [smem:$0x3F85]  }
0x29: {  	s4 =	sld [smem:$0x3F87]  }
0x2a: {  	p0 =	seq.s32 s5, $0x0;
	s5 =	sld [smem:$0x3F88]  }
0x2b: {  	s6 =	sld [smem:$0x3F89]  }
0x2c: {  	s7 =	sld [smem:$0x3F8A]  }
0x2d: {  	s3 =	simm.s32 $0x108;
	s8 =	sld [smem:$0x3F8B]  }
0x2e: {  	s3 =	simm.s32 @!p0 $0x1082;
	s9 =	sld [smem:$0x3F8C]  }
0x2f: {  	lr =	sadd.s32 s0, s3;
	s0 =	sld [smem:$0x3F83]  }
0x30: {  	s3 =	sld [smem:$0x3F86]  }
0x31: {  	[smem:$0x3F8F] =	sst s10  }
0x32: {  	s10 =	sld [smem:$0x3F8D];
	_ =	sdelay $0x3  }
0x33: {  	p0 =	seq.s32 s10, $0x1;
	s10 =	sld [smem:$0x3F8F];
	_ =	sdelay $0x3  }
0x34: {  	[smem:$0x3F8F] =	sst s10  }
0x35: {  	s10 =	sld [smem:$0x3F8E];
	_ =	sdelay $0x3  }
0x36: {  	p1 =	seq.s32 s10, $0x1;
	s10 =	sld [smem:$0x3F8F];
	_ =	sdelay $0x3  }
0x37: {  	[smem:$0x3F8F] =	sst s10  }
0x38: {  	s10 =	sld [smem:$0x3F90]  }
0x39: {  	_ = 	snop;
	(pc) =	sbr.ind lr, $3  }
0x3a: {  	_ = 	snop  }
0x3b: {  	_ = 	snop  }
0x3c: {  	p2 =	seq.s32 s10, $0x1;
	s10 =	sld [smem:$0x3F8F]  }
0x3d: {  	_ =	shalt  }
0x3e: {  	_ =	shalt  }
0x3f: {  	_ =	shalt  }
0x40: {  	_ =	shalt  }
0x41: {  	_ =	shalt  }
0x42: {  	_ =	shalt  }
0x43: {  	_ =	shalt  }
0x44: {  	_ =	shalt  }
0x45: {  	_ =	shalt  }
0x46: {  	_ =	shalt  }
0x47: {  	_ =	shalt  }
0x48: {  	_ =	shalt  }
0x49: {  	_ =	shalt  }
0x4a: {  	_ =	shalt  }
0x4b: {  	_ =	shalt  }
0x4c: {  	_ =	shalt  }
0x4d: {  	_ =	shalt  }
0x4e: {  	_ =	shalt  }
0x4f: {  	_ =	shalt  }
0x50: {  	_ =	shalt  }
0x51: {  	_ =	shalt  }
0x52: {  	_ =	shalt  }
0x53: {  	_ =	shalt  }
0x54: {  	_ =	shalt  }
0x55: {  	_ =	shalt  }
0x56: {  	_ =	shalt  }
0x57: {  	_ =	shalt  }
0x58: {  	_ =	shalt  }
0x59: {  	_ =	shalt  }
0x5a: {  	_ =	shalt  }
0x5b: {  	_ =	shalt  }
0x5c: {  	_ =	shalt  }
0x5d: {  	_ =	shalt  }
0x5e: {  	_ =	shalt  }
0x5f: {  	_ =	shalt  }
0x60: {  	_ =	shalt  }
0x61: {  	_ =	shalt  }
0x62: {  	_ =	shalt  }
0x63: {  	_ =	shalt  }
0x64: {  	_ =	shalt  }
0x65: {  	_ =	shalt  }
0x66: {  	_ =	shalt  }
0x67: {  	_ =	shalt  }
0x68: {  	_ =	shalt  }
0x69: {  	_ =	shalt  }
0x6a: {  	_ =	shalt  }
0x6b: {  	_ =	shalt  }
0x6c: {  	_ =	shalt  }
0x6d: {  	_ =	shalt  }
0x6e: {  	_ =	shalt  }
0x6f: {  	_ =	shalt  }
0x70: {  	_ =	shalt  }
0x71: {  	_ =	shalt  }
0x72: {  	_ =	shalt  }
0x73: {  	_ =	shalt  }
0x74: {  	_ =	shalt  }
0x75: {  	_ =	shalt  }
0x76: {  	_ =	shalt  }
0x77: {  	_ =	shalt  }
0x78: {  	_ =	shalt  }
0x79: {  	_ =	shalt  }
0x7a: {  	_ =	shalt  }
0x7b: {  	_ =	shalt  }
0x7c: {  	_ =	shalt  }
0x7d: {  	_ =	shalt  }
0x7e: {  	_ =	shalt  }
0x7f: {  	_ =	shalt  }
0x80: {  	_ =	shalt  }
0x81: {  	_ =	shalt  }
0x82: {  	_ =	shalt  }
0x83: {  	_ =	shalt  }
0x84: {  	_ =	shalt  }
0x85: {  	_ =	shalt  }
0x86: {  	_ =	shalt  }
0x87: {  	_ =	shalt  }
.Lfunc_end0:
.L_simem_size_0:
called_computation_lowered:
.L_overlay_start_0:
0x88: {  	s2 =	sld [smem:$0x3FD9]  }
0x89: {  	s3 =	sld [smem:$0x3FFE];
	_ =	sdelay $0x1  }
0x8a: {  	s1 =	srdreg.scid  }
0x8b: {  	s0 =	sand.u32 $0x1, s1  }
0x8c: {  	s16 =	sshll.u32 s0, $0xA;
	s2 =	sadd.s32 s3, s2  }
0x8d: {  	s2 =	sadd.s32 s2, s16  }
0x8e: {  	[smem:$0x3F9B] =	sst s2  }
0x8f: {  	_ = 	snop  }
0x90: {  	(tm) =	ssettm $0x1  }
0x91: {  	s17 =	sld [smem:$0x3FFB];
	_ =	sdelay $0x3  }
0x92: {  	_ =	strace s17  }
0x93: {  	s2 =	sld [smem:$0x3FFC];
	_ =	sdelay $0x3  }
0x94: {  	_ =	strace s2  }
0x95: {  	s2 =	sld [smem:$0x3FFD];
	_ =	sdelay $0x3  }
0x96: {  	_ =	strace s2  }
0x97: {  	_ =	strace $0x8FFFFFFF  }
0x98: {  	s18 =	sld [smem:$0x3FDB];
	_ =	sdelay $0x1  }
0x99: {  	s19 =	simm.s32 $_scs_section_size  }
0x9a: {  	s4 =	simm.s32 $_size__tile_overlayer_lowered;
	s5 =	simm.s32 $_tile_overlayer_lowered  }
0x9b: {  	s22 =	simm.s32 $0x1BFF;
	s21 =	sshll.u32 s5, $0x1;
	s2 =	sadd.s32 s19, s18  }
0x9c: {  	s6 =	simm.s32 $0x0;
	s20 =	sshll.u32 s4, $0x1;
	s4 =	sadd.s32 s21, s2  }
0x9d: {  	[timem:s6], [sflag:s22] =	dma.local [hbm:s4], s20  }
0x9e: {  	_ =	swait.ge [sflag:s22], s20  }
0x9f: {  	s3 =	ssub.s32 $0x0, s20;
	[sflag:s22] =	ssyncset.done $0x0  }
0xa0: {  	[sflag:s22] =	ssyncadd.s32 s3;
	_ =	sdelay $0x1  }
0xa1: {  	s23 =	simm.s32 $0x1B8B  }
0xa2: {  	_ =	swait.ge [sflag:s23], $0x1  }
0xa3: {  	[sflag:s23] =	ssyncset.done $0x0  }
0xa4: {  	s25 =	simm.s32 $0x1B8E;
	s24 =	sld [smem:$0x3FFE];
	[sflag:s23] =	ssyncadd.s32 $0xFFFFFFFF  }
0xa5: {  	s26 =	simm.s32 $execute0_lowered;
	[smem:$0x3FD2] =	sst s25  }
0xa6: {  	s4 =	sshll.u32 s26, $0x1;
	_ =	strace $0x80000046;
	[dreg:$0x1] =	wrdreg $0xFFFFFFFF  }
0xa7: {  	s28 =	simm.s32 $_size_execute0_lowered;
	s2 =	sadd.s32 s2, s4;
	[dreg:$0x0] =	wrdreg $0x0  }
0xa8: {  	s4 =	sshll.u32 s28, $0x1;
	[dreg:$0x2] =	wrdreg s2  }
0xa9: {  	[dreg:$0x3] =	wrdreg s4  }
0xaa: {  	[dreg:$0x4] =	wrdreg $0xC0  }
0xab: {  	_ =	task [dreg:s6], $0x5FFFF  }
0xac: {  	[dreg:$0x1] =	wrdreg $0xFFFFFFFF  }
0xad: {  	[dreg:$0x0] =	wrdreg $0x60  }
0xae: {  	[dreg:$0x2] =	wrdreg s24  }
0xaf: {  	[dreg:$0x3] =	wrdreg $0x9  }
0xb0: {  	_ =	task.clear_ibuf [dreg:s6], $0x4FFFF;
	_ =	strace $0x90000046  }
0xb1: {  	s29 =	simm.s32 $0x9;
	_ =	strace $0x80000048  }
0xb2: {  	_ =	swait.ge [sflag:s29], $0x1  }
0xb3: {  	[sflag:s29] =	ssyncadd.s32 $0xFFFFFFFF  }
0xb4: {  	_ =	strace $0x90000048  }
0xb5: {  	_ =	sfence  }
0xb6: {  	s30 =	sld [smem:$0x0];
	_ =	sdelay $0x2  }
0xb7: {  	s31 =	sshll.u32 s1, $0xD;
	s1 =	sshrl.u32 s1, $0x2  }
0xb8: {  	s3 =	sand.u32 $0x4000, s31;
	s1 =	sadd.s32 s1, s30  }
0xb9: {  	s0 =	sor.u32 s3, s0;
	s1 =	sshll.u32 s1, $0x11  }
0xba: {  	s0 =	sor.u32 s1, s0  }
0xbb: {  	s0 =	sadd.s32 $0x8F2B, s0  }
0xbc: {  	[sflag:s0] =	ssyncadd.remote.s32 $0x1  }
0xbd: {  	_ =	sfence.sel $0xFFFF  }
0xbe: {  	[dreg:$0x0] =	wrdreg $0xFFFFFFFF;
	(pc) =	sbr.abs _section_cstart, $3  }
0xbf: {  	[dreg:$0x1] =	wrdreg $0xFFFFFFFF  }
0xc0: {  	_ =	task.clear_ibuf [dreg:s6], $0x2FFFF;
	_ =	strace $0x9FFFFFFF  }
0xc1: {  	(tm) =	ssettm $0x7FFFFFFF  }
tec
execute0_lowered:
.L_overlay_start_1:
0x0: {  	(tag) =	ssettag $0x1  }
0x1: {  	s1 =	srdreg.scid  }
0x2: {  	s0 =	stileid.u32;
	s4 =	rddreg [dreg:$0x0];
	s8 =	simm.s32 $0x1  }
0x3: {  	s9 =	simm.s32 $0x80;
	s10 =	simm.s32 $0x400;
	s11 =	simm.s32 $0x0  }
0x4: {  	s3 =	sand.u32 $0x1, s1;
	s2 =	sshll.u32 s0, $0x1;
	s1 =	rddreg [dreg:$0x1]  }
0x5: {  	s6 =	sshrl.u32 s0, $0x2;
	s5 =	sor.u32 s3, s2;
	s2 =	simm.s32 $0x0  }
0x6: {  	s6 =	smul.u32 $0x14000, s6;
	s30 =	ssub.s32 $0x2, s3;
	s7 =	sshll.u32 s5, $0x7  }
0x7: {  	s3 =	sadd.s32 $0x10A00, s4;
	s5 =	smul.u32 $0x4E2, s5;
	s7 =	sand.u32 $0x380, s7  }
0x8: {  	[smem:$0x7FF] =	sst s2;
	s31 =	sshrl.u32 s30, $0x1;
	s6 =	sor.u32 s6, s7  }
0x9: {  	_ =	strace $0x80000047;
	s5 =	sadd.s32 s5, s4;
	s6 =	sshrl.u32 s6, $0x3  }
0xa: {  	s7 =	ssub.s32 s30, s31;
	s6 =	sadd.s32 s6, s4;
	s4 =	sadd.s32 $0x6C00, s5  }
0xb: {  	v0 =	vimm.f32 $1.000000000e+00;
	s5 =	sadd.s32 $0x11000, s6;
	s6 =	smax.u32 s7, $0x1;
	s7 =	simm.s32 $0x2780  }
.LBB2_1:
0xc: {  	[tilespmem:s7], [sflag:$0x1] =	stream.linear.gather [hbm4b:s3+s2], $0x2800, $0x38;
	[tilespmem:$0x4F80] =	vst v63  }
0xd: {  	_ =	swait.ge [sflag:s8], $0x2800  }
0xe: {  	[sflag:s8] =	ssyncset.done $0x0  }
0xf: {  	[sflag:s8] =	ssyncadd.s32 $0xFFFFD800  }
0x10: {  	[tilespmem:s2], [sflag:$0x1] =	stream.linear.gather [hbm4b:s4+s2], $0x2710, $0x38;
	[tilespmem:$0x4F80] =	vst v63  }
0x11: {  	_ =	swait.ge [sflag:s8], $0x2710  }
0x12: {  	[sflag:s8] =	ssyncset.done $0x0  }
0x13: {  	s13 =	simm.s32 $0x0;
	s12 =	simm.s32 $0x40;
	[sflag:s8] =	ssyncadd.s32 $0xFFFFD8F0  }
.LBB2_2:
0x14: {  	p0 =	sne.s32 s12, $0x9C00;
	v1 =	vld [tilespmem:s13+$0x0];
	_ =	sdelay $0x3  }
.Ltmp0:
0x15: {  	(pc) =	sbr.rel @p0 .LBB2_2-.Ltmp0, $2  }
0x16: {  	_ =	sdelay $0x2  }
0x17: {  	s13 =	sshra.s32 s12, $0x2;
	s12 =	sadd.s32 $0x40, s12;
	[tilespmem:v1+s7+$0x0] =	vst.idx.add.f32.msk $0xffff, v0  }
0x18: {  	v1 =	vld [tilespmem:s13+$0x0];
	_ =	sdelay $0x5  }
0x19: {  	s11 =	sadd.s32 $0x1, s11  }
0x1a: {  	p0 =	sne.s32 s11, s6  }
.Ltmp1:
0x1b: {  	[tilespmem:v1+s7+$0x0] =	vst.idx.add.f32.msk $0xffff, v0;
	(pc) =	sbr.rel @p0 .LBB2_1-.Ltmp1, $4  }
0x1c: {  	[hbm4b:s5+s9] =	stream.strided.scatter [tilespmem:s7], [sflag:$0x1], $0x2800, s10, s9, $0x38;
	[tilespmem:$0x4F80] =	vst v63  }
0x1d: {  	_ =	swait.ge [sflag:s8], $0x2800  }
0x1e: {  	[sflag:s8] =	ssyncset.done $0x0  }
0x1f: {  	[sflag:s8] =	ssyncadd.s32 $0xFFFFD800  }
0x20: {  	_ =	sfence.sel $0x180000  }
0x21: {  	[bflag:$0x0] =	sbarrier.arrive $0xFFFF  }
0x22: {  	p0 =	sne.s32 s0, $0x0;
	_ =	strace $0x90000047  }
0x23: {  	s0 =	sadd.s32 @!p0 $0x100000, s1;
	[bflag:$0x2] =	sbarrier.arrive $0xFFFF  }
0x24: {  	[sflag:s0] =	ssyncadd.tile.s32 @!p0 $0x1;
	_ =	shalt  }
.Lfunc_end2:
_tile_overlayer_lowered:
.L_overlay_start_2:
0x25: {  	(tag) =	ssettag $0x2  }
0x26: {  	s0 =	rddreg [dreg:$0x0];
	s2 =	stileid.u32  }
0x27: {  	s1 =	rddreg [dreg:$0x1];
	p0 =	sne.s32 s2, $0x0  }
0x28: {  	s3 =	rddreg [dreg:$0x2];
	[bflag:$0x3] =	sbarrier.arrive $0xFFFF;
	s2 =	simm.s32 @!p0 $0x1C01  }
0x29: {  	[timem:s3], [sflag:s2] =	dma.local @!p0 [hbm:s0], s1  }
0x2a: {  	s0 =	simm.s32 @!p0 $0x1  }
0x2b: {  	_ =	swait.ge @!p0 [sflag:s0], s1  }
0x2c: {  	s1 =	ssub.s32 @!p0 $0x0, s1;
	[sflag:s0] =	ssyncset.done @!p0 $0x0  }
0x2d: {  	[sflag:s0] =	ssyncadd.s32 @!p0 s1  }
0x2e: {  	[bflag:$0x3] =	sbarrier.arrive $0xFFFF  }
0x2f: {  	_ =	shalt  }

</sc_bundles>
